<compile_context>
chip_gen: v7x
topology: tpu7x:2x2x1
jax: 0.10.2.dev20260603
libtpu: 0.0.44.dev20260713+nightly
codegen_flags: <defaults>
</compile_context>

<pallas_src>
import functools

import jax
import jax.numpy as jnp
from jax import lax
from jax.experimental import pallas as pl
from jax.experimental.pallas import tpu as pltpu
from jax.experimental.pallas import tpu_sc as plsc

DIM = 32
NC, NS = 2, 16
NW = NC * NS
BW = 128
SEQ = 200
BBLK = 4096 // BW
UNITS = SEQ * BBLK
UPW = UNITS // NW
NSLOT = 8
NIT = UPW // NSLOT


@functools.lru_cache(maxsize=None)
def _build():
    mesh = plsc.VectorSubcoreMesh(core_axis_name="c", subcore_axis_name="s")

    def body(x_u, t_rm, out_u, idx_all, *rest):
        bufs = rest[0:NSLOT]
        gsems = rest[NSLOT:2 * NSLOT]
        osems = rest[2 * NSLOT:3 * NSLOT]
        wid = lax.axis_index("s") * NC + lax.axis_index("c")
        u0 = wid * UPW

        pltpu.sync_copy(x_u.at[pl.ds(u0, UPW)], idx_all)

        def fire_gather(u, b):
            pltpu.async_copy(t_rm.at[idx_all.at[u]], bufs[b], gsems[b])

        def drain_gather(u, b):
            pltpu.make_async_copy(
                t_rm.at[idx_all.at[u]], bufs[b], gsems[b]).wait()

        def fire_write(u, b):
            gu = u0 + u
            s = gu // BBLK
            bb = gu % BBLK
            pltpu.async_copy(
                bufs[b], out_u.at[s, pl.ds(bb * BW, BW)], osems[b])

        def drain_write(u, b):
            gu = u0 + u
            s = gu // BBLK
            bb = gu % BBLK
            pltpu.make_async_copy(
                bufs[b], out_u.at[s, pl.ds(bb * BW, BW)], osems[b]).wait()

        PF = NSLOT // 2

        for b in range(PF):
            fire_gather(b, b)

        def step_fn(it, carry):
            for b in range(NSLOT):
                u = it * NSLOT + b
                ps = (b + PF) % NSLOT

                drain_gather(u, b)
                fire_write(u, b)

                if b < PF:
                    @pl.when(it > 0)
                    def _():
                        drain_write(u - PF, ps)

                    fire_gather(u + PF, ps)
                else:
                    drain_write(u - PF, ps)

                    @pl.when(it < NIT - 1)
                    def _():
                        fire_gather(u + PF, ps)
            return carry

        lax.fori_loop(0, NIT, step_fn, 0)

        for u in range(UPW - PF, UPW):
            drain_write(u, u % NSLOT)

    return pl.kernel(
        body,
        out_type=jax.ShapeDtypeStruct((SEQ, 4096, DIM), jnp.float32),
        mesh=mesh,
        scratch_types=(
            [pltpu.VMEM((UPW, BW), jnp.int32)]
            + [pltpu.VMEM((BW, DIM), jnp.float32) for _ in range(NSLOT)]
            + [pltpu.SemaphoreType.DMA for _ in range(2 * NSLOT)]
        ),
        compiler_params=pltpu.CompilerParams(
            use_tc_tiling_on_sc=False, needs_layout_passes=False),
    )


TCC = 8192


@functools.lru_cache(maxsize=None)
def _tc_pad_transpose():
    grid = (1000000 + TCC - 1) // TCC

    def k(tt_ref, out_ref):
        out_ref[:, pl.ds(0, DIM)] = jnp.transpose(tt_ref[...], (1, 0))

    return pl.pallas_call(
        k,
        grid=(grid,),
        in_specs=[pl.BlockSpec((DIM, TCC), lambda g: (0, g))],
        out_specs=pl.BlockSpec((TCC, 128), lambda g: (g, 0)),
        out_shape=jax.ShapeDtypeStruct((1000000, 128), jnp.float32),
    )


@jax.jit
def kernel(x, table):
    b, s = x.shape
    x_u = (jnp.transpose(x).reshape(UNITS, BW) * 4).astype(jnp.int32)
    tp = _tc_pad_transpose()(jnp.transpose(table))
    t_rm = tp.reshape(4000000, DIM)
    out_u = _build()(x_u, t_rm)
    return jnp.transpose(out_u, (1, 0, 2))

# --- scband reference (transcript-rebuilt; emitter-appended) ---
"""Pipeline reference for scband-embedding-layer-35914516529643 (READ-ONLY COPY).

The authoritative reference and input builder live on the scoring server;
editing this copy changes nothing except your own understanding.
"""

import jax, jax.numpy as jnp
import numpy as np

NUM_EMBEDDINGS = 1000000
EMBEDDING_DIM = 32
BATCH = 4096
SEQ_LEN = 200

def setup_inputs(seed: int = 0) -> dict:
    key = jax.random.key(seed)
    k_idx, k_tab = jax.random.split(key)
    x = jax.random.randint(k_idx, (BATCH, SEQ_LEN), 0, NUM_EMBEDDINGS, dtype=jnp.int64 if jax.config.jax_enable_x64 else jnp.int32)
    table = jax.random.normal(k_tab, (NUM_EMBEDDINGS, EMBEDDING_DIM), dtype=jnp.float32)
    return {"x": x, "table": table}

def reference(x, table):
    # nn.Embedding forward: gather rows of the table by index
    return jnp.take(table, x, axis=0)

if __name__ == "__main__":
    import jax
    _d = setup_inputs()
    print(jax.jit(kernel)(*tuple(_d.values())))

</pallas_src>

<mosaic_0001>
#map = affine_map<(d0, d1) -> (0, 0)>
#map1 = affine_map<(d0, d1) -> (0, 0, 0)>
module attributes {stable_mosaic.version = 14 : i64} {
  func.func @body(%arg0: i32, %arg1: i32, %arg2: memref<6400x128xi32, #tpu.memory_space<hbm>>, %arg3: memref<4000000x32xf32, #tpu.memory_space<hbm>>, %arg4: memref<200x4096x32xf32, #tpu.memory_space<hbm>>, %arg5: memref<200x128xi32, #tpu.memory_space<vmem>>, %arg6: memref<128x32xf32, #tpu.memory_space<vmem>>, %arg7: memref<128x32xf32, #tpu.memory_space<vmem>>, %arg8: memref<128x32xf32, #tpu.memory_space<vmem>>, %arg9: memref<128x32xf32, #tpu.memory_space<vmem>>, %arg10: memref<128x32xf32, #tpu.memory_space<vmem>>, %arg11: memref<128x32xf32, #tpu.memory_space<vmem>>, %arg12: memref<128x32xf32, #tpu.memory_space<vmem>>, %arg13: memref<128x32xf32, #tpu.memory_space<vmem>>, %arg14: memref<!tpu.dma_semaphore, #tpu.memory_space<semaphore_mem>>, %arg15: memref<!tpu.dma_semaphore, #tpu.memory_space<semaphore_mem>>, %arg16: memref<!tpu.dma_semaphore, #tpu.memory_space<semaphore_mem>>, %arg17: memref<!tpu.dma_semaphore, #tpu.memory_space<semaphore_mem>>, %arg18: memref<!tpu.dma_semaphore, #tpu.memory_space<semaphore_mem>>, %arg19: memref<!tpu.dma_semaphore, #tpu.memory_space<semaphore_mem>>, %arg20: memref<!tpu.dma_semaphore, #tpu.memory_space<semaphore_mem>>, %arg21: memref<!tpu.dma_semaphore, #tpu.memory_space<semaphore_mem>>, %arg22: memref<!tpu.dma_semaphore, #tpu.memory_space<semaphore_mem>>, %arg23: memref<!tpu.dma_semaphore, #tpu.memory_space<semaphore_mem>>, %arg24: memref<!tpu.dma_semaphore, #tpu.memory_space<semaphore_mem>>, %arg25: memref<!tpu.dma_semaphore, #tpu.memory_space<semaphore_mem>>, %arg26: memref<!tpu.dma_semaphore, #tpu.memory_space<semaphore_mem>>, %arg27: memref<!tpu.dma_semaphore, #tpu.memory_space<semaphore_mem>>, %arg28: memref<!tpu.dma_semaphore, #tpu.memory_space<semaphore_mem>>, %arg29: memref<!tpu.dma_semaphore, #tpu.memory_space<semaphore_mem>>) attributes {dimension_semantics = [#tpu.dimension_semantics<core_parallel>, #tpu.dimension_semantics<subcore_parallel>], iteration_bounds = array<i64: 2, 16>, scalar_prefetch = 0 : i64, scratch_operands = 25 : i64, tpu.core_type = #tpu.core_type<sc_vector_subcore>, window_params = [{transform_indices = #map}, {transform_indices = #map}, {transform_indices = #map1}]} {
    %mul3A = arith.constant 2 : i32
    %mul3A_0 = arith.muli %arg1, %mul3A : i32
    %add3A = arith.addi %mul3A_0, %arg0 : i32
    %mul3A_1 = arith.constant 200 : i32
    %mul3A_2 = arith.muli %add3A, %mul3A_1 : i32
    "tpu.region"() ({
      %run_scoped3A = tpu.sem_alloc : memref<!tpu.dma_semaphore, #tpu.memory_space<semaphore_mem>>
      %dma_start3A_224 = arith.constant 0 : i32
      %dma_start3A_225 = tpu.memref_slice %arg2[%mul3A_2, %dma_start3A_224] : memref<6400x128xi32, #tpu.memory_space<hbm>> -> memref<200x128xi32, #tpu.memory_space<hbm>>
      %dma_start3A_226 = arith.constant 0 : i32
      %dma_start3A_227 = tpu.memref_slice %arg2[%mul3A_2, %dma_start3A_226] : memref<6400x128xi32, #tpu.memory_space<hbm>> -> memref<200x128xi32, #tpu.memory_space<hbm>>
      tpu.enqueue_dma source(%dma_start3A_227 : memref<200x128xi32, #tpu.memory_space<hbm>>) target(%arg5 : memref<200x128xi32, #tpu.memory_space<vmem>>) target_semaphore(%run_scoped3A : memref<!tpu.dma_semaphore, #tpu.memory_space<semaphore_mem>>)
      %dma_wait3A_228 = arith.constant 0 : i32
      %dma_wait3A_229 = tpu.memref_slice %arg2[%mul3A_2, %dma_wait3A_228] : memref<6400x128xi32, #tpu.memory_space<hbm>> -> memref<200x128xi32, #tpu.memory_space<hbm>>
      %dma_wait3A_230 = arith.constant 0 : i32
      %dma_wait3A_231 = tpu.memref_slice %arg2[%mul3A_2, %dma_wait3A_230] : memref<6400x128xi32, #tpu.memory_space<hbm>> -> memref<200x128xi32, #tpu.memory_space<hbm>>
      tpu.wait_dma2 semaphore(%run_scoped3A : memref<!tpu.dma_semaphore, #tpu.memory_space<semaphore_mem>>) src(%dma_wait3A_231 : memref<200x128xi32, #tpu.memory_space<hbm>>) dst(%arg5 : memref<200x128xi32, #tpu.memory_space<vmem>>)
      tpu.yield
    }) : () -> ()
    %dma_start3A = arith.constant 0 : i32
    %dma_start3A_3 = arith.constant 0 : i32
    %dma_start3A_4 = tpu.memref_slice %arg5[%dma_start3A, %dma_start3A_3] : memref<200x128xi32, #tpu.memory_space<vmem>> -> memref<1x128xi32, #tpu.memory_space<vmem>>
    %dma_start3A_5 = tpu.memref_squeeze %dma_start3A_4 : memref<1x128xi32, #tpu.memory_space<vmem>> -> memref<128xi32, #tpu.memory_space<vmem>>
    %dma_start3A_6 = arith.constant 0 : i32
    %dma_start3A_7 = arith.constant 0 : i32
    %dma_start3A_8 = tpu.memref_slice %arg3[%dma_start3A_6, %dma_start3A_7] : memref<4000000x32xf32, #tpu.memory_space<hbm>> -> memref<4000000x32xf32, #tpu.memory_space<hbm>>
    tpu.enqueue_indirect_dma source(%dma_start3A_8 : memref<4000000x32xf32, #tpu.memory_space<hbm>>) target(%arg6 : memref<128x32xf32, #tpu.memory_space<vmem>>) offsets(%dma_start3A_5 : memref<128xi32, #tpu.memory_space<vmem>>) semaphore(%arg14 : memref<!tpu.dma_semaphore, #tpu.memory_space<semaphore_mem>>)
    %dma_start3A_9 = arith.constant 1 : i32
    %dma_start3A_10 = arith.constant 0 : i32
    %dma_start3A_11 = tpu.memref_slice %arg5[%dma_start3A_9, %dma_start3A_10] : memref<200x128xi32, #tpu.memory_space<vmem>> -> memref<1x128xi32, #tpu.memory_space<vmem>>
    %dma_start3A_12 = tpu.memref_squeeze %dma_start3A_11 : memref<1x128xi32, #tpu.memory_space<vmem>> -> memref<128xi32, #tpu.memory_space<vmem>>
    %dma_start3A_13 = arith.constant 0 : i32
    %dma_start3A_14 = arith.constant 0 : i32
    %dma_start3A_15 = tpu.memref_slice %arg3[%dma_start3A_13, %dma_start3A_14] : memref<4000000x32xf32, #tpu.memory_space<hbm>> -> memref<4000000x32xf32, #tpu.memory_space<hbm>>
    tpu.enqueue_indirect_dma source(%dma_start3A_15 : memref<4000000x32xf32, #tpu.memory_space<hbm>>) target(%arg7 : memref<128x32xf32, #tpu.memory_space<vmem>>) offsets(%dma_start3A_12 : memref<128xi32, #tpu.memory_space<vmem>>) semaphore(%arg15 : memref<!tpu.dma_semaphore, #tpu.memory_space<semaphore_mem>>)
    %dma_start3A_16 = arith.constant 2 : i32
    %dma_start3A_17 = arith.constant 0 : i32
    %dma_start3A_18 = tpu.memref_slice %arg5[%dma_start3A_16, %dma_start3A_17] : memref<200x128xi32, #tpu.memory_space<vmem>> -> memref<1x128xi32, #tpu.memory_space<vmem>>
    %dma_start3A_19 = tpu.memref_squeeze %dma_start3A_18 : memref<1x128xi32, #tpu.memory_space<vmem>> -> memref<128xi32, #tpu.memory_space<vmem>>
    %dma_start3A_20 = arith.constant 0 : i32
    %dma_start3A_21 = arith.constant 0 : i32
    %dma_start3A_22 = tpu.memref_slice %arg3[%dma_start3A_20, %dma_start3A_21] : memref<4000000x32xf32, #tpu.memory_space<hbm>> -> memref<4000000x32xf32, #tpu.memory_space<hbm>>
    tpu.enqueue_indirect_dma source(%dma_start3A_22 : memref<4000000x32xf32, #tpu.memory_space<hbm>>) target(%arg8 : memref<128x32xf32, #tpu.memory_space<vmem>>) offsets(%dma_start3A_19 : memref<128xi32, #tpu.memory_space<vmem>>) semaphore(%arg16 : memref<!tpu.dma_semaphore, #tpu.memory_space<semaphore_mem>>)
    %dma_start3A_23 = arith.constant 3 : i32
    %dma_start3A_24 = arith.constant 0 : i32
    %dma_start3A_25 = tpu.memref_slice %arg5[%dma_start3A_23, %dma_start3A_24] : memref<200x128xi32, #tpu.memory_space<vmem>> -> memref<1x128xi32, #tpu.memory_space<vmem>>
    %dma_start3A_26 = tpu.memref_squeeze %dma_start3A_25 : memref<1x128xi32, #tpu.memory_space<vmem>> -> memref<128xi32, #tpu.memory_space<vmem>>
    %dma_start3A_27 = arith.constant 0 : i32
    %dma_start3A_28 = arith.constant 0 : i32
    %dma_start3A_29 = tpu.memref_slice %arg3[%dma_start3A_27, %dma_start3A_28] : memref<4000000x32xf32, #tpu.memory_space<hbm>> -> memref<4000000x32xf32, #tpu.memory_space<hbm>>
    tpu.enqueue_indirect_dma source(%dma_start3A_29 : memref<4000000x32xf32, #tpu.memory_space<hbm>>) target(%arg9 : memref<128x32xf32, #tpu.memory_space<vmem>>) offsets(%dma_start3A_26 : memref<128xi32, #tpu.memory_space<vmem>>) semaphore(%arg17 : memref<!tpu.dma_semaphore, #tpu.memory_space<semaphore_mem>>)
    %scan3A = arith.constant 0 : i32
    %scan3A_30 = arith.constant 0 : i32
    %scan3A_31 = arith.constant 25 : i32
    %scan3A_32 = arith.addi %scan3A_30, %scan3A_31 : i32
    %scan3A_33 = arith.constant 1 : i32
    scf.for %scan3A_224 = %scan3A_30 to %scan3A_32 step %scan3A_33  : i32 {
      %mul3A_225 = arith.constant 8 : i32
      %mul3A_226 = arith.muli %scan3A_224, %mul3A_225 : i32
      %add3A_227 = arith.constant 0 : i32
      %add3A_228 = arith.addi %mul3A_226, %add3A_227 : i32
      %dma_wait3A_229 = arith.constant 0 : i32
      %dma_wait3A_230 = tpu.memref_slice %arg5[%add3A_228, %dma_wait3A_229] : memref<200x128xi32, #tpu.memory_space<vmem>> -> memref<1x128xi32, #tpu.memory_space<vmem>>
      %dma_wait3A_231 = tpu.memref_squeeze %dma_wait3A_230 : memref<1x128xi32, #tpu.memory_space<vmem>> -> memref<128xi32, #tpu.memory_space<vmem>>
      %dma_wait3A_232 = arith.constant 0 : i32
      %dma_wait3A_233 = arith.constant 0 : i32
      %dma_wait3A_234 = tpu.memref_slice %arg3[%dma_wait3A_232, %dma_wait3A_233] : memref<4000000x32xf32, #tpu.memory_space<hbm>> -> memref<4000000x32xf32, #tpu.memory_space<hbm>>
      tpu.wait_indirect_dma semaphore(%arg14 : memref<!tpu.dma_semaphore, #tpu.memory_space<semaphore_mem>>) src(%dma_wait3A_234 : memref<4000000x32xf32, #tpu.memory_space<hbm>>) dst(%arg6 : memref<128x32xf32, #tpu.memory_space<vmem>>)
      %add3A_235 = arith.addi %mul3A_2, %add3A_228 : i32
      %jit3A_236 = arith.constant 32 : i32
      %div3A_237 = arith.divsi %add3A_235, %jit3A_236 : i32
      %sign3A_238 = arith.constant 0 : i32
      %sign3A_239 = arith.cmpi sgt, %add3A_235, %sign3A_238 : i32
      %sign3A_240 = arith.extui %sign3A_239 : i1 to i32
      %sign3A_241 = arith.constant 0 : i32
      %sign3A_242 = arith.cmpi slt, %add3A_235, %sign3A_241 : i32
      %sign3A_243 = arith.extui %sign3A_242 : i1 to i32
      %sign3A_244 = arith.subi %sign3A_240, %sign3A_243 : i32
      %sign3A_245 = arith.constant 0 : i32
      %sign3A_246 = arith.cmpi sgt, %jit3A_236, %sign3A_245 : i32
      %sign3A_247 = arith.extui %sign3A_246 : i1 to i32
      %sign3A_248 = arith.constant 0 : i32
      %sign3A_249 = arith.cmpi slt, %jit3A_236, %sign3A_248 : i32
      %sign3A_250 = arith.extui %sign3A_249 : i1 to i32
      %sign3A_251 = arith.subi %sign3A_247, %sign3A_250 : i32
      %ne3A_252 = arith.cmpi ne, %sign3A_244, %sign3A_251 : i32
      %rem3A_253 = arith.remsi %add3A_235, %jit3A_236 : i32
      %ne3A_254 = arith.constant 0 : i32
      %ne3A_255 = arith.cmpi ne, %rem3A_253, %ne3A_254 : i32
      %and3A_256 = arith.andi %ne3A_252, %ne3A_255 : i1
      %sub3A_257 = arith.constant 1 : i32
      %sub3A_258 = arith.subi %div3A_237, %sub3A_257 : i32
      %select_n3A_259 = arith.select %and3A_256, %sub3A_258, %div3A_237 : i32
      %jit3A_260 = arith.constant 32 : i32
      %eq3A_261 = arith.constant 0 : i32
      %eq3A_262 = arith.cmpi eq, %jit3A_260, %eq3A_261 : i32
      %jit3A_263 = arith.constant 1 : i32
      %select_n3A_264 = arith.select %eq3A_262, %jit3A_263, %jit3A_260 : i32
      %rem3A_265 = arith.remsi %add3A_235, %select_n3A_264 : i32
      %ne3A_266 = arith.constant 0 : i32
      %ne3A_267 = arith.cmpi ne, %rem3A_265, %ne3A_266 : i32
      %lt3A_268 = arith.constant 0 : i32
      %lt3A_269 = arith.cmpi slt, %rem3A_265, %lt3A_268 : i32
      %lt3A_270 = arith.constant 0 : i32
      %lt3A_271 = arith.cmpi slt, %select_n3A_264, %lt3A_270 : i32
      %ne3A_272 = arith.xori %lt3A_269, %lt3A_271 : i1
      %and3A_273 = arith.andi %ne3A_272, %ne3A_267 : i1
      %add3A_274 = arith.addi %rem3A_265, %select_n3A_264 : i32
      %select_n3A_275 = arith.select %and3A_273, %add3A_274, %rem3A_265 : i32
      %mul3A_276 = arith.constant 128 : i32
      %mul3A_277 = arith.muli %select_n3A_275, %mul3A_276 : i32
      %dma_start3A_278 = arith.constant 0 : i32
      %dma_start3A_279 = tpu.memref_slice %arg4[%select_n3A_259, %mul3A_277, %dma_start3A_278] : memref<200x4096x32xf32, #tpu.memory_space<hbm>> -> memref<1x128x32xf32, #tpu.memory_space<hbm>>
      %dma_start3A_280 = tpu.memref_squeeze %dma_start3A_279 : memref<1x128x32xf32, #tpu.memory_space<hbm>> -> memref<128x32xf32, #tpu.memory_space<hbm>>
      %dma_start3A_281 = arith.constant 0 : i32
      %dma_start3A_282 = tpu.memref_slice %arg4[%select_n3A_259, %mul3A_277, %dma_start3A_281] : memref<200x4096x32xf32, #tpu.memory_space<hbm>> -> memref<1x128x32xf32, #tpu.memory_space<hbm>>
      %dma_start3A_283 = tpu.memref_squeeze %dma_start3A_282 : memref<1x128x32xf32, #tpu.memory_space<hbm>> -> memref<128x32xf32, #tpu.memory_space<hbm>>
      tpu.enqueue_dma source(%arg6 : memref<128x32xf32, #tpu.memory_space<vmem>>) target(%dma_start3A_283 : memref<128x32xf32, #tpu.memory_space<hbm>>) target_semaphore(%arg22 : memref<!tpu.dma_semaphore, #tpu.memory_space<semaphore_mem>>)
      %gt3A = arith.constant 0 : i32
      %gt3A_284 = arith.cmpi sgt, %scan3A_224, %gt3A : i32
      %convert_element_type3A = arith.extui %gt3A_284 : i1 to i32
      %cond3A = arith.constant 0 : i32
      %cond3A_285 = arith.cmpi ne, %convert_element_type3A, %cond3A : i32
      scf.if %cond3A_285 {
        %sub3A_970 = arith.constant 4 : i32
        %sub3A_971 = arith.subi %add3A_228, %sub3A_970 : i32
        %add3A_972 = arith.addi %mul3A_2, %sub3A_971 : i32
        %jit3A_973 = arith.constant 32 : i32
        %div3A_974 = arith.divsi %add3A_972, %jit3A_973 : i32
        %sign3A_975 = arith.constant 0 : i32
        %sign3A_976 = arith.cmpi sgt, %add3A_972, %sign3A_975 : i32
        %sign3A_977 = arith.extui %sign3A_976 : i1 to i32
        %sign3A_978 = arith.constant 0 : i32
        %sign3A_979 = arith.cmpi slt, %add3A_972, %sign3A_978 : i32
        %sign3A_980 = arith.extui %sign3A_979 : i1 to i32
        %sign3A_981 = arith.subi %sign3A_977, %sign3A_980 : i32
        %sign3A_982 = arith.constant 0 : i32
        %sign3A_983 = arith.cmpi sgt, %jit3A_973, %sign3A_982 : i32
        %sign3A_984 = arith.extui %sign3A_983 : i1 to i32
        %sign3A_985 = arith.constant 0 : i32
        %sign3A_986 = arith.cmpi slt, %jit3A_973, %sign3A_985 : i32
        %sign3A_987 = arith.extui %sign3A_986 : i1 to i32
        %sign3A_988 = arith.subi %sign3A_984, %sign3A_987 : i32
        %ne3A_989 = arith.cmpi ne, %sign3A_981, %sign3A_988 : i32
        %rem3A_990 = arith.remsi %add3A_972, %jit3A_973 : i32
        %ne3A_991 = arith.constant 0 : i32
        %ne3A_992 = arith.cmpi ne, %rem3A_990, %ne3A_991 : i32
        %and3A_993 = arith.andi %ne3A_989, %ne3A_992 : i1
        %sub3A_994 = arith.constant 1 : i32
        %sub3A_995 = arith.subi %div3A_974, %sub3A_994 : i32
        %select_n3A_996 = arith.select %and3A_993, %sub3A_995, %div3A_974 : i32
        %jit3A_997 = arith.constant 32 : i32
        %eq3A_998 = arith.constant 0 : i32
        %eq3A_999 = arith.cmpi eq, %jit3A_997, %eq3A_998 : i32
        %jit3A_1000 = arith.constant 1 : i32
        %select_n3A_1001 = arith.select %eq3A_999, %jit3A_1000, %jit3A_997 : i32
        %rem3A_1002 = arith.remsi %add3A_972, %select_n3A_1001 : i32
        %ne3A_1003 = arith.constant 0 : i32
        %ne3A_1004 = arith.cmpi ne, %rem3A_1002, %ne3A_1003 : i32
        %lt3A_1005 = arith.constant 0 : i32
        %lt3A_1006 = arith.cmpi slt, %rem3A_1002, %lt3A_1005 : i32
        %lt3A_1007 = arith.constant 0 : i32
        %lt3A_1008 = arith.cmpi slt, %select_n3A_1001, %lt3A_1007 : i32
        %ne3A_1009 = arith.xori %lt3A_1006, %lt3A_1008 : i1
        %and3A_1010 = arith.andi %ne3A_1009, %ne3A_1004 : i1
        %add3A_1011 = arith.addi %rem3A_1002, %select_n3A_1001 : i32
        %select_n3A_1012 = arith.select %and3A_1010, %add3A_1011, %rem3A_1002 : i32
        %mul3A_1013 = arith.constant 128 : i32
        %mul3A_1014 = arith.muli %select_n3A_1012, %mul3A_1013 : i32
        %dma_wait3A_1015 = arith.constant 0 : i32
        %dma_wait3A_1016 = tpu.memref_slice %arg4[%select_n3A_996, %mul3A_1014, %dma_wait3A_1015] : memref<200x4096x32xf32, #tpu.memory_space<hbm>> -> memref<1x128x32xf32, #tpu.memory_space<hbm>>
        %dma_wait3A_1017 = tpu.memref_squeeze %dma_wait3A_1016 : memref<1x128x32xf32, #tpu.memory_space<hbm>> -> memref<128x32xf32, #tpu.memory_space<hbm>>
        %dma_wait3A_1018 = arith.constant 0 : i32
        %dma_wait3A_1019 = tpu.memref_slice %arg4[%select_n3A_996, %mul3A_1014, %dma_wait3A_1018] : memref<200x4096x32xf32, #tpu.memory_space<hbm>> -> memref<1x128x32xf32, #tpu.memory_space<hbm>>
        %dma_wait3A_1020 = tpu.memref_squeeze %dma_wait3A_1019 : memref<1x128x32xf32, #tpu.memory_space<hbm>> -> memref<128x32xf32, #tpu.memory_space<hbm>>
        tpu.wait_dma2 semaphore(%arg26 : memref<!tpu.dma_semaphore, #tpu.memory_space<semaphore_mem>>) src(%arg10 : memref<128x32xf32, #tpu.memory_space<vmem>>) dst(%dma_wait3A_1020 : memref<128x32xf32, #tpu.memory_space<hbm>>)
      } else {
      }
      %add3A_286 = arith.constant 4 : i32
      %add3A_287 = arith.addi %add3A_228, %add3A_286 : i32
      %dma_start3A_288 = arith.constant 0 : i32
      %dma_start3A_289 = tpu.memref_slice %arg5[%add3A_287, %dma_start3A_288] : memref<200x128xi32, #tpu.memory_space<vmem>> -> memref<1x128xi32, #tpu.memory_space<vmem>>
      %dma_start3A_290 = tpu.memref_squeeze %dma_start3A_289 : memref<1x128xi32, #tpu.memory_space<vmem>> -> memref<128xi32, #tpu.memory_space<vmem>>
      %dma_start3A_291 = arith.constant 0 : i32
      %dma_start3A_292 = arith.constant 0 : i32
      %dma_start3A_293 = tpu.memref_slice %arg3[%dma_start3A_291, %dma_start3A_292] : memref<4000000x32xf32, #tpu.memory_space<hbm>> -> memref<4000000x32xf32, #tpu.memory_space<hbm>>
      tpu.enqueue_indirect_dma source(%dma_start3A_293 : memref<4000000x32xf32, #tpu.memory_space<hbm>>) target(%arg10 : memref<128x32xf32, #tpu.memory_space<vmem>>) offsets(%dma_start3A_290 : memref<128xi32, #tpu.memory_space<vmem>>) semaphore(%arg18 : memref<!tpu.dma_semaphore, #tpu.memory_space<semaphore_mem>>)
      %mul3A_294 = arith.constant 8 : i32
      %mul3A_295 = arith.muli %scan3A_224, %mul3A_294 : i32
      %add3A_296 = arith.constant 1 : i32
      %add3A_297 = arith.addi %mul3A_295, %add3A_296 : i32
      %dma_wait3A_298 = arith.constant 0 : i32
      %dma_wait3A_299 = tpu.memref_slice %arg5[%add3A_297, %dma_wait3A_298] : memref<200x128xi32, #tpu.memory_space<vmem>> -> memref<1x128xi32, #tpu.memory_space<vmem>>
      %dma_wait3A_300 = tpu.memref_squeeze %dma_wait3A_299 : memref<1x128xi32, #tpu.memory_space<vmem>> -> memref<128xi32, #tpu.memory_space<vmem>>
      %dma_wait3A_301 = arith.constant 0 : i32
      %dma_wait3A_302 = arith.constant 0 : i32
      %dma_wait3A_303 = tpu.memref_slice %arg3[%dma_wait3A_301, %dma_wait3A_302] : memref<4000000x32xf32, #tpu.memory_space<hbm>> -> memref<4000000x32xf32, #tpu.memory_space<hbm>>
      tpu.wait_indirect_dma semaphore(%arg15 : memref<!tpu.dma_semaphore, #tpu.memory_space<semaphore_mem>>) src(%dma_wait3A_303 : memref<4000000x32xf32, #tpu.memory_space<hbm>>) dst(%arg7 : memref<128x32xf32, #tpu.memory_space<vmem>>)
      %add3A_304 = arith.addi %mul3A_2, %add3A_297 : i32
      %jit3A_305 = arith.constant 32 : i32
      %div3A_306 = arith.divsi %add3A_304, %jit3A_305 : i32
      %sign3A_307 = arith.constant 0 : i32
      %sign3A_308 = arith.cmpi sgt, %add3A_304, %sign3A_307 : i32
      %sign3A_309 = arith.extui %sign3A_308 : i1 to i32
      %sign3A_310 = arith.constant 0 : i32
      %sign3A_311 = arith.cmpi slt, %add3A_304, %sign3A_310 : i32
      %sign3A_312 = arith.extui %sign3A_311 : i1 to i32
      %sign3A_313 = arith.subi %sign3A_309, %sign3A_312 : i32
      %sign3A_314 = arith.constant 0 : i32
      %sign3A_315 = arith.cmpi sgt, %jit3A_305, %sign3A_314 : i32
      %sign3A_316 = arith.extui %sign3A_315 : i1 to i32
      %sign3A_317 = arith.constant 0 : i32
      %sign3A_318 = arith.cmpi slt, %jit3A_305, %sign3A_317 : i32
      %sign3A_319 = arith.extui %sign3A_318 : i1 to i32
      %sign3A_320 = arith.subi %sign3A_316, %sign3A_319 : i32
      %ne3A_321 = arith.cmpi ne, %sign3A_313, %sign3A_320 : i32
      %rem3A_322 = arith.remsi %add3A_304, %jit3A_305 : i32
      %ne3A_323 = arith.constant 0 : i32
      %ne3A_324 = arith.cmpi ne, %rem3A_322, %ne3A_323 : i32
      %and3A_325 = arith.andi %ne3A_321, %ne3A_324 : i1
      %sub3A_326 = arith.constant 1 : i32
      %sub3A_327 = arith.subi %div3A_306, %sub3A_326 : i32
      %select_n3A_328 = arith.select %and3A_325, %sub3A_327, %div3A_306 : i32
      %jit3A_329 = arith.constant 32 : i32
      %eq3A_330 = arith.constant 0 : i32
      %eq3A_331 = arith.cmpi eq, %jit3A_329, %eq3A_330 : i32
      %jit3A_332 = arith.constant 1 : i32
      %select_n3A_333 = arith.select %eq3A_331, %jit3A_332, %jit3A_329 : i32
      %rem3A_334 = arith.remsi %add3A_304, %select_n3A_333 : i32
      %ne3A_335 = arith.constant 0 : i32
      %ne3A_336 = arith.cmpi ne, %rem3A_334, %ne3A_335 : i32
      %lt3A_337 = arith.constant 0 : i32
      %lt3A_338 = arith.cmpi slt, %rem3A_334, %lt3A_337 : i32
      %lt3A_339 = arith.constant 0 : i32
      %lt3A_340 = arith.cmpi slt, %select_n3A_333, %lt3A_339 : i32
      %ne3A_341 = arith.xori %lt3A_338, %lt3A_340 : i1
      %and3A_342 = arith.andi %ne3A_341, %ne3A_336 : i1
      %add3A_343 = arith.addi %rem3A_334, %select_n3A_333 : i32
      %select_n3A_344 = arith.select %and3A_342, %add3A_343, %rem3A_334 : i32
      %mul3A_345 = arith.constant 128 : i32
      %mul3A_346 = arith.muli %select_n3A_344, %mul3A_345 : i32
      %dma_start3A_347 = arith.constant 0 : i32
      %dma_start3A_348 = tpu.memref_slice %arg4[%select_n3A_328, %mul3A_346, %dma_start3A_347] : memref<200x4096x32xf32, #tpu.memory_space<hbm>> -> memref<1x128x32xf32, #tpu.memory_space<hbm>>
      %dma_start3A_349 = tpu.memref_squeeze %dma_start3A_348 : memref<1x128x32xf32, #tpu.memory_space<hbm>> -> memref<128x32xf32, #tpu.memory_space<hbm>>
      %dma_start3A_350 = arith.constant 0 : i32
      %dma_start3A_351 = tpu.memref_slice %arg4[%select_n3A_328, %mul3A_346, %dma_start3A_350] : memref<200x4096x32xf32, #tpu.memory_space<hbm>> -> memref<1x128x32xf32, #tpu.memory_space<hbm>>
      %dma_start3A_352 = tpu.memref_squeeze %dma_start3A_351 : memref<1x128x32xf32, #tpu.memory_space<hbm>> -> memref<128x32xf32, #tpu.memory_space<hbm>>
      tpu.enqueue_dma source(%arg7 : memref<128x32xf32, #tpu.memory_space<vmem>>) target(%dma_start3A_352 : memref<128x32xf32, #tpu.memory_space<hbm>>) target_semaphore(%arg23 : memref<!tpu.dma_semaphore, #tpu.memory_space<semaphore_mem>>)
      %gt3A_353 = arith.constant 0 : i32
      %gt3A_354 = arith.cmpi sgt, %scan3A_224, %gt3A_353 : i32
      %convert_element_type3A_355 = arith.extui %gt3A_354 : i1 to i32
      %cond3A_356 = arith.constant 0 : i32
      %cond3A_357 = arith.cmpi ne, %convert_element_type3A_355, %cond3A_356 : i32
      scf.if %cond3A_357 {
        %sub3A_970 = arith.constant 4 : i32
        %sub3A_971 = arith.subi %add3A_297, %sub3A_970 : i32
        %add3A_972 = arith.addi %mul3A_2, %sub3A_971 : i32
        %jit3A_973 = arith.constant 32 : i32
        %div3A_974 = arith.divsi %add3A_972, %jit3A_973 : i32
        %sign3A_975 = arith.constant 0 : i32
        %sign3A_976 = arith.cmpi sgt, %add3A_972, %sign3A_975 : i32
        %sign3A_977 = arith.extui %sign3A_976 : i1 to i32
        %sign3A_978 = arith.constant 0 : i32
        %sign3A_979 = arith.cmpi slt, %add3A_972, %sign3A_978 : i32
        %sign3A_980 = arith.extui %sign3A_979 : i1 to i32
        %sign3A_981 = arith.subi %sign3A_977, %sign3A_980 : i32
        %sign3A_982 = arith.constant 0 : i32
        %sign3A_983 = arith.cmpi sgt, %jit3A_973, %sign3A_982 : i32
        %sign3A_984 = arith.extui %sign3A_983 : i1 to i32
        %sign3A_985 = arith.constant 0 : i32
        %sign3A_986 = arith.cmpi slt, %jit3A_973, %sign3A_985 : i32
        %sign3A_987 = arith.extui %sign3A_986 : i1 to i32
        %sign3A_988 = arith.subi %sign3A_984, %sign3A_987 : i32
        %ne3A_989 = arith.cmpi ne, %sign3A_981, %sign3A_988 : i32
        %rem3A_990 = arith.remsi %add3A_972, %jit3A_973 : i32
        %ne3A_991 = arith.constant 0 : i32
        %ne3A_992 = arith.cmpi ne, %rem3A_990, %ne3A_991 : i32
        %and3A_993 = arith.andi %ne3A_989, %ne3A_992 : i1
        %sub3A_994 = arith.constant 1 : i32
        %sub3A_995 = arith.subi %div3A_974, %sub3A_994 : i32
        %select_n3A_996 = arith.select %and3A_993, %sub3A_995, %div3A_974 : i32
        %jit3A_997 = arith.constant 32 : i32
        %eq3A_998 = arith.constant 0 : i32
        %eq3A_999 = arith.cmpi eq, %jit3A_997, %eq3A_998 : i32
        %jit3A_1000 = arith.constant 1 : i32
        %select_n3A_1001 = arith.select %eq3A_999, %jit3A_1000, %jit3A_997 : i32
        %rem3A_1002 = arith.remsi %add3A_972, %select_n3A_1001 : i32
        %ne3A_1003 = arith.constant 0 : i32
        %ne3A_1004 = arith.cmpi ne, %rem3A_1002, %ne3A_1003 : i32
        %lt3A_1005 = arith.constant 0 : i32
        %lt3A_1006 = arith.cmpi slt, %rem3A_1002, %lt3A_1005 : i32
        %lt3A_1007 = arith.constant 0 : i32
        %lt3A_1008 = arith.cmpi slt, %select_n3A_1001, %lt3A_1007 : i32
        %ne3A_1009 = arith.xori %lt3A_1006, %lt3A_1008 : i1
        %and3A_1010 = arith.andi %ne3A_1009, %ne3A_1004 : i1
        %add3A_1011 = arith.addi %rem3A_1002, %select_n3A_1001 : i32
        %select_n3A_1012 = arith.select %and3A_1010, %add3A_1011, %rem3A_1002 : i32
        %mul3A_1013 = arith.constant 128 : i32
        %mul3A_1014 = arith.muli %select_n3A_1012, %mul3A_1013 : i32
        %dma_wait3A_1015 = arith.constant 0 : i32
        %dma_wait3A_1016 = tpu.memref_slice %arg4[%select_n3A_996, %mul3A_1014, %dma_wait3A_1015] : memref<200x4096x32xf32, #tpu.memory_space<hbm>> -> memref<1x128x32xf32, #tpu.memory_space<hbm>>
        %dma_wait3A_1017 = tpu.memref_squeeze %dma_wait3A_1016 : memref<1x128x32xf32, #tpu.memory_space<hbm>> -> memref<128x32xf32, #tpu.memory_space<hbm>>
        %dma_wait3A_1018 = arith.constant 0 : i32
        %dma_wait3A_1019 = tpu.memref_slice %arg4[%select_n3A_996, %mul3A_1014, %dma_wait3A_1018] : memref<200x4096x32xf32, #tpu.memory_space<hbm>> -> memref<1x128x32xf32, #tpu.memory_space<hbm>>
        %dma_wait3A_1020 = tpu.memref_squeeze %dma_wait3A_1019 : memref<1x128x32xf32, #tpu.memory_space<hbm>> -> memref<128x32xf32, #tpu.memory_space<hbm>>
        tpu.wait_dma2 semaphore(%arg27 : memref<!tpu.dma_semaphore, #tpu.memory_space<semaphore_mem>>) src(%arg11 : memref<128x32xf32, #tpu.memory_space<vmem>>) dst(%dma_wait3A_1020 : memref<128x32xf32, #tpu.memory_space<hbm>>)
      } else {
      }
      %add3A_358 = arith.constant 4 : i32
      %add3A_359 = arith.addi %add3A_297, %add3A_358 : i32
      %dma_start3A_360 = arith.constant 0 : i32
      %dma_start3A_361 = tpu.memref_slice %arg5[%add3A_359, %dma_start3A_360] : memref<200x128xi32, #tpu.memory_space<vmem>> -> memref<1x128xi32, #tpu.memory_space<vmem>>
      %dma_start3A_362 = tpu.memref_squeeze %dma_start3A_361 : memref<1x128xi32, #tpu.memory_space<vmem>> -> memref<128xi32, #tpu.memory_space<vmem>>
      %dma_start3A_363 = arith.constant 0 : i32
      %dma_start3A_364 = arith.constant 0 : i32
      %dma_start3A_365 = tpu.memref_slice %arg3[%dma_start3A_363, %dma_start3A_364] : memref<4000000x32xf32, #tpu.memory_space<hbm>> -> memref<4000000x32xf32, #tpu.memory_space<hbm>>
      tpu.enqueue_indirect_dma source(%dma_start3A_365 : memref<4000000x32xf32, #tpu.memory_space<hbm>>) target(%arg11 : memref<128x32xf32, #tpu.memory_space<vmem>>) offsets(%dma_start3A_362 : memref<128xi32, #tpu.memory_space<vmem>>) semaphore(%arg19 : memref<!tpu.dma_semaphore, #tpu.memory_space<semaphore_mem>>)
      %mul3A_366 = arith.constant 8 : i32
      %mul3A_367 = arith.muli %scan3A_224, %mul3A_366 : i32
      %add3A_368 = arith.constant 2 : i32
      %add3A_369 = arith.addi %mul3A_367, %add3A_368 : i32
      %dma_wait3A_370 = arith.constant 0 : i32
      %dma_wait3A_371 = tpu.memref_slice %arg5[%add3A_369, %dma_wait3A_370] : memref<200x128xi32, #tpu.memory_space<vmem>> -> memref<1x128xi32, #tpu.memory_space<vmem>>
      %dma_wait3A_372 = tpu.memref_squeeze %dma_wait3A_371 : memref<1x128xi32, #tpu.memory_space<vmem>> -> memref<128xi32, #tpu.memory_space<vmem>>
      %dma_wait3A_373 = arith.constant 0 : i32
      %dma_wait3A_374 = arith.constant 0 : i32
      %dma_wait3A_375 = tpu.memref_slice %arg3[%dma_wait3A_373, %dma_wait3A_374] : memref<4000000x32xf32, #tpu.memory_space<hbm>> -> memref<4000000x32xf32, #tpu.memory_space<hbm>>
      tpu.wait_indirect_dma semaphore(%arg16 : memref<!tpu.dma_semaphore, #tpu.memory_space<semaphore_mem>>) src(%dma_wait3A_375 : memref<4000000x32xf32, #tpu.memory_space<hbm>>) dst(%arg8 : memref<128x32xf32, #tpu.memory_space<vmem>>)
      %add3A_376 = arith.addi %mul3A_2, %add3A_369 : i32
      %jit3A_377 = arith.constant 32 : i32
      %div3A_378 = arith.divsi %add3A_376, %jit3A_377 : i32
      %sign3A_379 = arith.constant 0 : i32
      %sign3A_380 = arith.cmpi sgt, %add3A_376, %sign3A_379 : i32
      %sign3A_381 = arith.extui %sign3A_380 : i1 to i32
      %sign3A_382 = arith.constant 0 : i32
      %sign3A_383 = arith.cmpi slt, %add3A_376, %sign3A_382 : i32
      %sign3A_384 = arith.extui %sign3A_383 : i1 to i32
      %sign3A_385 = arith.subi %sign3A_381, %sign3A_384 : i32
      %sign3A_386 = arith.constant 0 : i32
      %sign3A_387 = arith.cmpi sgt, %jit3A_377, %sign3A_386 : i32
      %sign3A_388 = arith.extui %sign3A_387 : i1 to i32
      %sign3A_389 = arith.constant 0 : i32
      %sign3A_390 = arith.cmpi slt, %jit3A_377, %sign3A_389 : i32
      %sign3A_391 = arith.extui %sign3A_390 : i1 to i32
      %sign3A_392 = arith.subi %sign3A_388, %sign3A_391 : i32
      %ne3A_393 = arith.cmpi ne, %sign3A_385, %sign3A_392 : i32
      %rem3A_394 = arith.remsi %add3A_376, %jit3A_377 : i32
      %ne3A_395 = arith.constant 0 : i32
      %ne3A_396 = arith.cmpi ne, %rem3A_394, %ne3A_395 : i32
      %and3A_397 = arith.andi %ne3A_393, %ne3A_396 : i1
      %sub3A_398 = arith.constant 1 : i32
      %sub3A_399 = arith.subi %div3A_378, %sub3A_398 : i32
      %select_n3A_400 = arith.select %and3A_397, %sub3A_399, %div3A_378 : i32
      %jit3A_401 = arith.constant 32 : i32
      %eq3A_402 = arith.constant 0 : i32
      %eq3A_403 = arith.cmpi eq, %jit3A_401, %eq3A_402 : i32
      %jit3A_404 = arith.constant 1 : i32
      %select_n3A_405 = arith.select %eq3A_403, %jit3A_404, %jit3A_401 : i32
      %rem3A_406 = arith.remsi %add3A_376, %select_n3A_405 : i32
      %ne3A_407 = arith.constant 0 : i32
      %ne3A_408 = arith.cmpi ne, %rem3A_406, %ne3A_407 : i32
      %lt3A_409 = arith.constant 0 : i32
      %lt3A_410 = arith.cmpi slt, %rem3A_406, %lt3A_409 : i32
      %lt3A_411 = arith.constant 0 : i32
      %lt3A_412 = arith.cmpi slt, %select_n3A_405, %lt3A_411 : i32
      %ne3A_413 = arith.xori %lt3A_410, %lt3A_412 : i1
      %and3A_414 = arith.andi %ne3A_413, %ne3A_408 : i1
      %add3A_415 = arith.addi %rem3A_406, %select_n3A_405 : i32
      %select_n3A_416 = arith.select %and3A_414, %add3A_415, %rem3A_406 : i32
      %mul3A_417 = arith.constant 128 : i32
      %mul3A_418 = arith.muli %select_n3A_416, %mul3A_417 : i32
      %dma_start3A_419 = arith.constant 0 : i32
      %dma_start3A_420 = tpu.memref_slice %arg4[%select_n3A_400, %mul3A_418, %dma_start3A_419] : memref<200x4096x32xf32, #tpu.memory_space<hbm>> -> memref<1x128x32xf32, #tpu.memory_space<hbm>>
      %dma_start3A_421 = tpu.memref_squeeze %dma_start3A_420 : memref<1x128x32xf32, #tpu.memory_space<hbm>> -> memref<128x32xf32, #tpu.memory_space<hbm>>
      %dma_start3A_422 = arith.constant 0 : i32
      %dma_start3A_423 = tpu.memref_slice %arg4[%select_n3A_400, %mul3A_418, %dma_start3A_422] : memref<200x4096x32xf32, #tpu.memory_space<hbm>> -> memref<1x128x32xf32, #tpu.memory_space<hbm>>
      %dma_start3A_424 = tpu.memref_squeeze %dma_start3A_423 : memref<1x128x32xf32, #tpu.memory_space<hbm>> -> memref<128x32xf32, #tpu.memory_space<hbm>>
      tpu.enqueue_dma source(%arg8 : memref<128x32xf32, #tpu.memory_space<vmem>>) target(%dma_start3A_424 : memref<128x32xf32, #tpu.memory_space<hbm>>) target_semaphore(%arg24 : memref<!tpu.dma_semaphore, #tpu.memory_space<semaphore_mem>>)
      %gt3A_425 = arith.constant 0 : i32
      %gt3A_426 = arith.cmpi sgt, %scan3A_224, %gt3A_425 : i32
      %convert_element_type3A_427 = arith.extui %gt3A_426 : i1 to i32
      %cond3A_428 = arith.constant 0 : i32
      %cond3A_429 = arith.cmpi ne, %convert_element_type3A_427, %cond3A_428 : i32
      scf.if %cond3A_429 {
        %sub3A_970 = arith.constant 4 : i32
        %sub3A_971 = arith.subi %add3A_369, %sub3A_970 : i32
        %add3A_972 = arith.addi %mul3A_2, %sub3A_971 : i32
        %jit3A_973 = arith.constant 32 : i32
        %div3A_974 = arith.divsi %add3A_972, %jit3A_973 : i32
        %sign3A_975 = arith.constant 0 : i32
        %sign3A_976 = arith.cmpi sgt, %add3A_972, %sign3A_975 : i32
        %sign3A_977 = arith.extui %sign3A_976 : i1 to i32
        %sign3A_978 = arith.constant 0 : i32
        %sign3A_979 = arith.cmpi slt, %add3A_972, %sign3A_978 : i32
        %sign3A_980 = arith.extui %sign3A_979 : i1 to i32
        %sign3A_981 = arith.subi %sign3A_977, %sign3A_980 : i32
        %sign3A_982 = arith.constant 0 : i32
        %sign3A_983 = arith.cmpi sgt, %jit3A_973, %sign3A_982 : i32
        %sign3A_984 = arith.extui %sign3A_983 : i1 to i32
        %sign3A_985 = arith.constant 0 : i32
        %sign3A_986 = arith.cmpi slt, %jit3A_973, %sign3A_985 : i32
        %sign3A_987 = arith.extui %sign3A_986 : i1 to i32
        %sign3A_988 = arith.subi %sign3A_984, %sign3A_987 : i32
        %ne3A_989 = arith.cmpi ne, %sign3A_981, %sign3A_988 : i32
        %rem3A_990 = arith.remsi %add3A_972, %jit3A_973 : i32
        %ne3A_991 = arith.constant 0 : i32
        %ne3A_992 = arith.cmpi ne, %rem3A_990, %ne3A_991 : i32
        %and3A_993 = arith.andi %ne3A_989, %ne3A_992 : i1
        %sub3A_994 = arith.constant 1 : i32
        %sub3A_995 = arith.subi %div3A_974, %sub3A_994 : i32
        %select_n3A_996 = arith.select %and3A_993, %sub3A_995, %div3A_974 : i32
        %jit3A_997 = arith.constant 32 : i32
        %eq3A_998 = arith.constant 0 : i32
        %eq3A_999 = arith.cmpi eq, %jit3A_997, %eq3A_998 : i32
        %jit3A_1000 = arith.constant 1 : i32
        %select_n3A_1001 = arith.select %eq3A_999, %jit3A_1000, %jit3A_997 : i32
        %rem3A_1002 = arith.remsi %add3A_972, %select_n3A_1001 : i32
        %ne3A_1003 = arith.constant 0 : i32
        %ne3A_1004 = arith.cmpi ne, %rem3A_1002, %ne3A_1003 : i32
        %lt3A_1005 = arith.constant 0 : i32
        %lt3A_1006 = arith.cmpi slt, %rem3A_1002, %lt3A_1005 : i32
        %lt3A_1007 = arith.constant 0 : i32
        %lt3A_1008 = arith.cmpi slt, %select_n3A_1001, %lt3A_1007 : i32
        %ne3A_1009 = arith.xori %lt3A_1006, %lt3A_1008 : i1
        %and3A_1010 = arith.andi %ne3A_1009, %ne3A_1004 : i1
        %add3A_1011 = arith.addi %rem3A_1002, %select_n3A_1001 : i32
        %select_n3A_1012 = arith.select %and3A_1010, %add3A_1011, %rem3A_1002 : i32
        %mul3A_1013 = arith.constant 128 : i32
        %mul3A_1014 = arith.muli %select_n3A_1012, %mul3A_1013 : i32
        %dma_wait3A_1015 = arith.constant 0 : i32
        %dma_wait3A_1016 = tpu.memref_slice %arg4[%select_n3A_996, %mul3A_1014, %dma_wait3A_1015] : memref<200x4096x32xf32, #tpu.memory_space<hbm>> -> memref<1x128x32xf32, #tpu.memory_space<hbm>>
        %dma_wait3A_1017 = tpu.memref_squeeze %dma_wait3A_1016 : memref<1x128x32xf32, #tpu.memory_space<hbm>> -> memref<128x32xf32, #tpu.memory_space<hbm>>
        %dma_wait3A_1018 = arith.constant 0 : i32
        %dma_wait3A_1019 = tpu.memref_slice %arg4[%select_n3A_996, %mul3A_1014, %dma_wait3A_1018] : memref<200x4096x32xf32, #tpu.memory_space<hbm>> -> memref<1x128x32xf32, #tpu.memory_space<hbm>>
        %dma_wait3A_1020 = tpu.memref_squeeze %dma_wait3A_1019 : memref<1x128x32xf32, #tpu.memory_space<hbm>> -> memref<128x32xf32, #tpu.memory_space<hbm>>
        tpu.wait_dma2 semaphore(%arg28 : memref<!tpu.dma_semaphore, #tpu.memory_space<semaphore_mem>>) src(%arg12 : memref<128x32xf32, #tpu.memory_space<vmem>>) dst(%dma_wait3A_1020 : memref<128x32xf32, #tpu.memory_space<hbm>>)
      } else {
      }
      %add3A_430 = arith.constant 4 : i32
      %add3A_431 = arith.addi %add3A_369, %add3A_430 : i32
      %dma_start3A_432 = arith.constant 0 : i32
      %dma_start3A_433 = tpu.memref_slice %arg5[%add3A_431, %dma_start3A_432] : memref<200x128xi32, #tpu.memory_space<vmem>> -> memref<1x128xi32, #tpu.memory_space<vmem>>
      %dma_start3A_434 = tpu.memref_squeeze %dma_start3A_433 : memref<1x128xi32, #tpu.memory_space<vmem>> -> memref<128xi32, #tpu.memory_space<vmem>>
      %dma_start3A_435 = arith.constant 0 : i32
      %dma_start3A_436 = arith.constant 0 : i32
      %dma_start3A_437 = tpu.memref_slice %arg3[%dma_start3A_435, %dma_start3A_436] : memref<4000000x32xf32, #tpu.memory_space<hbm>> -> memref<4000000x32xf32, #tpu.memory_space<hbm>>
      tpu.enqueue_indirect_dma source(%dma_start3A_437 : memref<4000000x32xf32, #tpu.memory_space<hbm>>) target(%arg12 : memref<128x32xf32, #tpu.memory_space<vmem>>) offsets(%dma_start3A_434 : memref<128xi32, #tpu.memory_space<vmem>>) semaphore(%arg20 : memref<!tpu.dma_semaphore, #tpu.memory_space<semaphore_mem>>)
      %mul3A_438 = arith.constant 8 : i32
      %mul3A_439 = arith.muli %scan3A_224, %mul3A_438 : i32
      %add3A_440 = arith.constant 3 : i32
      %add3A_441 = arith.addi %mul3A_439, %add3A_440 : i32
      %dma_wait3A_442 = arith.constant 0 : i32
      %dma_wait3A_443 = tpu.memref_slice %arg5[%add3A_441, %dma_wait3A_442] : memref<200x128xi32, #tpu.memory_space<vmem>> -> memref<1x128xi32, #tpu.memory_space<vmem>>
      %dma_wait3A_444 = tpu.memref_squeeze %dma_wait3A_443 : memref<1x128xi32, #tpu.memory_space<vmem>> -> memref<128xi32, #tpu.memory_space<vmem>>
      %dma_wait3A_445 = arith.constant 0 : i32
      %dma_wait3A_446 = arith.constant 0 : i32
      %dma_wait3A_447 = tpu.memref_slice %arg3[%dma_wait3A_445, %dma_wait3A_446] : memref<4000000x32xf32, #tpu.memory_space<hbm>> -> memref<4000000x32xf32, #tpu.memory_space<hbm>>
      tpu.wait_indirect_dma semaphore(%arg17 : memref<!tpu.dma_semaphore, #tpu.memory_space<semaphore_mem>>) src(%dma_wait3A_447 : memref<4000000x32xf32, #tpu.memory_space<hbm>>) dst(%arg9 : memref<128x32xf32, #tpu.memory_space<vmem>>)
      %add3A_448 = arith.addi %mul3A_2, %add3A_441 : i32
      %jit3A_449 = arith.constant 32 : i32
      %div3A_450 = arith.divsi %add3A_448, %jit3A_449 : i32
      %sign3A_451 = arith.constant 0 : i32
      %sign3A_452 = arith.cmpi sgt, %add3A_448, %sign3A_451 : i32
      %sign3A_453 = arith.extui %sign3A_452 : i1 to i32
      %sign3A_454 = arith.constant 0 : i32
      %sign3A_455 = arith.cmpi slt, %add3A_448, %sign3A_454 : i32
      %sign3A_456 = arith.extui %sign3A_455 : i1 to i32
      %sign3A_457 = arith.subi %sign3A_453, %sign3A_456 : i32
      %sign3A_458 = arith.constant 0 : i32
      %sign3A_459 = arith.cmpi sgt, %jit3A_449, %sign3A_458 : i32
      %sign3A_460 = arith.extui %sign3A_459 : i1 to i32
      %sign3A_461 = arith.constant 0 : i32
      %sign3A_462 = arith.cmpi slt, %jit3A_449, %sign3A_461 : i32
      %sign3A_463 = arith.extui %sign3A_462 : i1 to i32
      %sign3A_464 = arith.subi %sign3A_460, %sign3A_463 : i32
      %ne3A_465 = arith.cmpi ne, %sign3A_457, %sign3A_464 : i32
      %rem3A_466 = arith.remsi %add3A_448, %jit3A_449 : i32
      %ne3A_467 = arith.constant 0 : i32
      %ne3A_468 = arith.cmpi ne, %rem3A_466, %ne3A_467 : i32
      %and3A_469 = arith.andi %ne3A_465, %ne3A_468 : i1
      %sub3A_470 = arith.constant 1 : i32
      %sub3A_471 = arith.subi %div3A_450, %sub3A_470 : i32
      %select_n3A_472 = arith.select %and3A_469, %sub3A_471, %div3A_450 : i32
      %jit3A_473 = arith.constant 32 : i32
      %eq3A_474 = arith.constant 0 : i32
      %eq3A_475 = arith.cmpi eq, %jit3A_473, %eq3A_474 : i32
      %jit3A_476 = arith.constant 1 : i32
      %select_n3A_477 = arith.select %eq3A_475, %jit3A_476, %jit3A_473 : i32
      %rem3A_478 = arith.remsi %add3A_448, %select_n3A_477 : i32
      %ne3A_479 = arith.constant 0 : i32
      %ne3A_480 = arith.cmpi ne, %rem3A_478, %ne3A_479 : i32
      %lt3A_481 = arith.constant 0 : i32
      %lt3A_482 = arith.cmpi slt, %rem3A_478, %lt3A_481 : i32
      %lt3A_483 = arith.constant 0 : i32
      %lt3A_484 = arith.cmpi slt, %select_n3A_477, %lt3A_483 : i32
      %ne3A_485 = arith.xori %lt3A_482, %lt3A_484 : i1
      %and3A_486 = arith.andi %ne3A_485, %ne3A_480 : i1
      %add3A_487 = arith.addi %rem3A_478, %select_n3A_477 : i32
      %select_n3A_488 = arith.select %and3A_486, %add3A_487, %rem3A_478 : i32
      %mul3A_489 = arith.constant 128 : i32
      %mul3A_490 = arith.muli %select_n3A_488, %mul3A_489 : i32
      %dma_start3A_491 = arith.constant 0 : i32
      %dma_start3A_492 = tpu.memref_slice %arg4[%select_n3A_472, %mul3A_490, %dma_start3A_491] : memref<200x4096x32xf32, #tpu.memory_space<hbm>> -> memref<1x128x32xf32, #tpu.memory_space<hbm>>
      %dma_start3A_493 = tpu.memref_squeeze %dma_start3A_492 : memref<1x128x32xf32, #tpu.memory_space<hbm>> -> memref<128x32xf32, #tpu.memory_space<hbm>>
      %dma_start3A_494 = arith.constant 0 : i32
      %dma_start3A_495 = tpu.memref_slice %arg4[%select_n3A_472, %mul3A_490, %dma_start3A_494] : memref<200x4096x32xf32, #tpu.memory_space<hbm>> -> memref<1x128x32xf32, #tpu.memory_space<hbm>>
      %dma_start3A_496 = tpu.memref_squeeze %dma_start3A_495 : memref<1x128x32xf32, #tpu.memory_space<hbm>> -> memref<128x32xf32, #tpu.memory_space<hbm>>
      tpu.enqueue_dma source(%arg9 : memref<128x32xf32, #tpu.memory_space<vmem>>) target(%dma_start3A_496 : memref<128x32xf32, #tpu.memory_space<hbm>>) target_semaphore(%arg25 : memref<!tpu.dma_semaphore, #tpu.memory_space<semaphore_mem>>)
      %gt3A_497 = arith.constant 0 : i32
      %gt3A_498 = arith.cmpi sgt, %scan3A_224, %gt3A_497 : i32
      %convert_element_type3A_499 = arith.extui %gt3A_498 : i1 to i32
      %cond3A_500 = arith.constant 0 : i32
      %cond3A_501 = arith.cmpi ne, %convert_element_type3A_499, %cond3A_500 : i32
      scf.if %cond3A_501 {
        %sub3A_970 = arith.constant 4 : i32
        %sub3A_971 = arith.subi %add3A_441, %sub3A_970 : i32
        %add3A_972 = arith.addi %mul3A_2, %sub3A_971 : i32
        %jit3A_973 = arith.constant 32 : i32
        %div3A_974 = arith.divsi %add3A_972, %jit3A_973 : i32
        %sign3A_975 = arith.constant 0 : i32
        %sign3A_976 = arith.cmpi sgt, %add3A_972, %sign3A_975 : i32
        %sign3A_977 = arith.extui %sign3A_976 : i1 to i32
        %sign3A_978 = arith.constant 0 : i32
        %sign3A_979 = arith.cmpi slt, %add3A_972, %sign3A_978 : i32
        %sign3A_980 = arith.extui %sign3A_979 : i1 to i32
        %sign3A_981 = arith.subi %sign3A_977, %sign3A_980 : i32
        %sign3A_982 = arith.constant 0 : i32
        %sign3A_983 = arith.cmpi sgt, %jit3A_973, %sign3A_982 : i32
        %sign3A_984 = arith.extui %sign3A_983 : i1 to i32
        %sign3A_985 = arith.constant 0 : i32
        %sign3A_986 = arith.cmpi slt, %jit3A_973, %sign3A_985 : i32
        %sign3A_987 = arith.extui %sign3A_986 : i1 to i32
        %sign3A_988 = arith.subi %sign3A_984, %sign3A_987 : i32
        %ne3A_989 = arith.cmpi ne, %sign3A_981, %sign3A_988 : i32
        %rem3A_990 = arith.remsi %add3A_972, %jit3A_973 : i32
        %ne3A_991 = arith.constant 0 : i32
        %ne3A_992 = arith.cmpi ne, %rem3A_990, %ne3A_991 : i32
        %and3A_993 = arith.andi %ne3A_989, %ne3A_992 : i1
        %sub3A_994 = arith.constant 1 : i32
        %sub3A_995 = arith.subi %div3A_974, %sub3A_994 : i32
        %select_n3A_996 = arith.select %and3A_993, %sub3A_995, %div3A_974 : i32
        %jit3A_997 = arith.constant 32 : i32
        %eq3A_998 = arith.constant 0 : i32
        %eq3A_999 = arith.cmpi eq, %jit3A_997, %eq3A_998 : i32
        %jit3A_1000 = arith.constant 1 : i32
        %select_n3A_1001 = arith.select %eq3A_999, %jit3A_1000, %jit3A_997 : i32
        %rem3A_1002 = arith.remsi %add3A_972, %select_n3A_1001 : i32
        %ne3A_1003 = arith.constant 0 : i32
        %ne3A_1004 = arith.cmpi ne, %rem3A_1002, %ne3A_1003 : i32
        %lt3A_1005 = arith.constant 0 : i32
        %lt3A_1006 = arith.cmpi slt, %rem3A_1002, %lt3A_1005 : i32
        %lt3A_1007 = arith.constant 0 : i32
        %lt3A_1008 = arith.cmpi slt, %select_n3A_1001, %lt3A_1007 : i32
        %ne3A_1009 = arith.xori %lt3A_1006, %lt3A_1008 : i1
        %and3A_1010 = arith.andi %ne3A_1009, %ne3A_1004 : i1
        %add3A_1011 = arith.addi %rem3A_1002, %select_n3A_1001 : i32
        %select_n3A_1012 = arith.select %and3A_1010, %add3A_1011, %rem3A_1002 : i32
        %mul3A_1013 = arith.constant 128 : i32
        %mul3A_1014 = arith.muli %select_n3A_1012, %mul3A_1013 : i32
        %dma_wait3A_1015 = arith.constant 0 : i32
        %dma_wait3A_1016 = tpu.memref_slice %arg4[%select_n3A_996, %mul3A_1014, %dma_wait3A_1015] : memref<200x4096x32xf32, #tpu.memory_space<hbm>> -> memref<1x128x32xf32, #tpu.memory_space<hbm>>
        %dma_wait3A_1017 = tpu.memref_squeeze %dma_wait3A_1016 : memref<1x128x32xf32, #tpu.memory_space<hbm>> -> memref<128x32xf32, #tpu.memory_space<hbm>>
        %dma_wait3A_1018 = arith.constant 0 : i32
        %dma_wait3A_1019 = tpu.memref_slice %arg4[%select_n3A_996, %mul3A_1014, %dma_wait3A_1018] : memref<200x4096x32xf32, #tpu.memory_space<hbm>> -> memref<1x128x32xf32, #tpu.memory_space<hbm>>
        %dma_wait3A_1020 = tpu.memref_squeeze %dma_wait3A_1019 : memref<1x128x32xf32, #tpu.memory_space<hbm>> -> memref<128x32xf32, #tpu.memory_space<hbm>>
        tpu.wait_dma2 semaphore(%arg29 : memref<!tpu.dma_semaphore, #tpu.memory_space<semaphore_mem>>) src(%arg13 : memref<128x32xf32, #tpu.memory_space<vmem>>) dst(%dma_wait3A_1020 : memref<128x32xf32, #tpu.memory_space<hbm>>)
      } else {
      }
      %add3A_502 = arith.constant 4 : i32
      %add3A_503 = arith.addi %add3A_441, %add3A_502 : i32
      %dma_start3A_504 = arith.constant 0 : i32
      %dma_start3A_505 = tpu.memref_slice %arg5[%add3A_503, %dma_start3A_504] : memref<200x128xi32, #tpu.memory_space<vmem>> -> memref<1x128xi32, #tpu.memory_space<vmem>>
      %dma_start3A_506 = tpu.memref_squeeze %dma_start3A_505 : memref<1x128xi32, #tpu.memory_space<vmem>> -> memref<128xi32, #tpu.memory_space<vmem>>
      %dma_start3A_507 = arith.constant 0 : i32
      %dma_start3A_508 = arith.constant 0 : i32
      %dma_start3A_509 = tpu.memref_slice %arg3[%dma_start3A_507, %dma_start3A_508] : memref<4000000x32xf32, #tpu.memory_space<hbm>> -> memref<4000000x32xf32, #tpu.memory_space<hbm>>
      tpu.enqueue_indirect_dma source(%dma_start3A_509 : memref<4000000x32xf32, #tpu.memory_space<hbm>>) target(%arg13 : memref<128x32xf32, #tpu.memory_space<vmem>>) offsets(%dma_start3A_506 : memref<128xi32, #tpu.memory_space<vmem>>) semaphore(%arg21 : memref<!tpu.dma_semaphore, #tpu.memory_space<semaphore_mem>>)
      %mul3A_510 = arith.constant 8 : i32
      %mul3A_511 = arith.muli %scan3A_224, %mul3A_510 : i32
      %add3A_512 = arith.constant 4 : i32
      %add3A_513 = arith.addi %mul3A_511, %add3A_512 : i32
      %dma_wait3A_514 = arith.constant 0 : i32
      %dma_wait3A_515 = tpu.memref_slice %arg5[%add3A_513, %dma_wait3A_514] : memref<200x128xi32, #tpu.memory_space<vmem>> -> memref<1x128xi32, #tpu.memory_space<vmem>>
      %dma_wait3A_516 = tpu.memref_squeeze %dma_wait3A_515 : memref<1x128xi32, #tpu.memory_space<vmem>> -> memref<128xi32, #tpu.memory_space<vmem>>
      %dma_wait3A_517 = arith.constant 0 : i32
      %dma_wait3A_518 = arith.constant 0 : i32
      %dma_wait3A_519 = tpu.memref_slice %arg3[%dma_wait3A_517, %dma_wait3A_518] : memref<4000000x32xf32, #tpu.memory_space<hbm>> -> memref<4000000x32xf32, #tpu.memory_space<hbm>>
      tpu.wait_indirect_dma semaphore(%arg18 : memref<!tpu.dma_semaphore, #tpu.memory_space<semaphore_mem>>) src(%dma_wait3A_519 : memref<4000000x32xf32, #tpu.memory_space<hbm>>) dst(%arg10 : memref<128x32xf32, #tpu.memory_space<vmem>>)
      %add3A_520 = arith.addi %mul3A_2, %add3A_513 : i32
      %jit3A_521 = arith.constant 32 : i32
      %div3A_522 = arith.divsi %add3A_520, %jit3A_521 : i32
      %sign3A_523 = arith.constant 0 : i32
      %sign3A_524 = arith.cmpi sgt, %add3A_520, %sign3A_523 : i32
      %sign3A_525 = arith.extui %sign3A_524 : i1 to i32
      %sign3A_526 = arith.constant 0 : i32
      %sign3A_527 = arith.cmpi slt, %add3A_520, %sign3A_526 : i32
      %sign3A_528 = arith.extui %sign3A_527 : i1 to i32
      %sign3A_529 = arith.subi %sign3A_525, %sign3A_528 : i32
      %sign3A_530 = arith.constant 0 : i32
      %sign3A_531 = arith.cmpi sgt, %jit3A_521, %sign3A_530 : i32
      %sign3A_532 = arith.extui %sign3A_531 : i1 to i32
      %sign3A_533 = arith.constant 0 : i32
      %sign3A_534 = arith.cmpi slt, %jit3A_521, %sign3A_533 : i32
      %sign3A_535 = arith.extui %sign3A_534 : i1 to i32
      %sign3A_536 = arith.subi %sign3A_532, %sign3A_535 : i32
      %ne3A_537 = arith.cmpi ne, %sign3A_529, %sign3A_536 : i32
      %rem3A_538 = arith.remsi %add3A_520, %jit3A_521 : i32
      %ne3A_539 = arith.constant 0 : i32
      %ne3A_540 = arith.cmpi ne, %rem3A_538, %ne3A_539 : i32
      %and3A_541 = arith.andi %ne3A_537, %ne3A_540 : i1
      %sub3A_542 = arith.constant 1 : i32
      %sub3A_543 = arith.subi %div3A_522, %sub3A_542 : i32
      %select_n3A_544 = arith.select %and3A_541, %sub3A_543, %div3A_522 : i32
      %jit3A_545 = arith.constant 32 : i32
      %eq3A_546 = arith.constant 0 : i32
      %eq3A_547 = arith.cmpi eq, %jit3A_545, %eq3A_546 : i32
      %jit3A_548 = arith.constant 1 : i32
      %select_n3A_549 = arith.select %eq3A_547, %jit3A_548, %jit3A_545 : i32
      %rem3A_550 = arith.remsi %add3A_520, %select_n3A_549 : i32
      %ne3A_551 = arith.constant 0 : i32
      %ne3A_552 = arith.cmpi ne, %rem3A_550, %ne3A_551 : i32
      %lt3A_553 = arith.constant 0 : i32
      %lt3A_554 = arith.cmpi slt, %rem3A_550, %lt3A_553 : i32
      %lt3A_555 = arith.constant 0 : i32
      %lt3A_556 = arith.cmpi slt, %select_n3A_549, %lt3A_555 : i32
      %ne3A_557 = arith.xori %lt3A_554, %lt3A_556 : i1
      %and3A_558 = arith.andi %ne3A_557, %ne3A_552 : i1
      %add3A_559 = arith.addi %rem3A_550, %select_n3A_549 : i32
      %select_n3A_560 = arith.select %and3A_558, %add3A_559, %rem3A_550 : i32
      %mul3A_561 = arith.constant 128 : i32
      %mul3A_562 = arith.muli %select_n3A_560, %mul3A_561 : i32
      %dma_start3A_563 = arith.constant 0 : i32
      %dma_start3A_564 = tpu.memref_slice %arg4[%select_n3A_544, %mul3A_562, %dma_start3A_563] : memref<200x4096x32xf32, #tpu.memory_space<hbm>> -> memref<1x128x32xf32, #tpu.memory_space<hbm>>
      %dma_start3A_565 = tpu.memref_squeeze %dma_start3A_564 : memref<1x128x32xf32, #tpu.memory_space<hbm>> -> memref<128x32xf32, #tpu.memory_space<hbm>>
      %dma_start3A_566 = arith.constant 0 : i32
      %dma_start3A_567 = tpu.memref_slice %arg4[%select_n3A_544, %mul3A_562, %dma_start3A_566] : memref<200x4096x32xf32, #tpu.memory_space<hbm>> -> memref<1x128x32xf32, #tpu.memory_space<hbm>>
      %dma_start3A_568 = tpu.memref_squeeze %dma_start3A_567 : memref<1x128x32xf32, #tpu.memory_space<hbm>> -> memref<128x32xf32, #tpu.memory_space<hbm>>
      tpu.enqueue_dma source(%arg10 : memref<128x32xf32, #tpu.memory_space<vmem>>) target(%dma_start3A_568 : memref<128x32xf32, #tpu.memory_space<hbm>>) target_semaphore(%arg26 : memref<!tpu.dma_semaphore, #tpu.memory_space<semaphore_mem>>)
      %sub3A_569 = arith.constant 4 : i32
      %sub3A_570 = arith.subi %add3A_513, %sub3A_569 : i32
      %add3A_571 = arith.addi %mul3A_2, %sub3A_570 : i32
      %jit3A_572 = arith.constant 32 : i32
      %div3A_573 = arith.divsi %add3A_571, %jit3A_572 : i32
      %sign3A_574 = arith.constant 0 : i32
      %sign3A_575 = arith.cmpi sgt, %add3A_571, %sign3A_574 : i32
      %sign3A_576 = arith.extui %sign3A_575 : i1 to i32
      %sign3A_577 = arith.constant 0 : i32
      %sign3A_578 = arith.cmpi slt, %add3A_571, %sign3A_577 : i32
      %sign3A_579 = arith.extui %sign3A_578 : i1 to i32
      %sign3A_580 = arith.subi %sign3A_576, %sign3A_579 : i32
      %sign3A_581 = arith.constant 0 : i32
      %sign3A_582 = arith.cmpi sgt, %jit3A_572, %sign3A_581 : i32
      %sign3A_583 = arith.extui %sign3A_582 : i1 to i32
      %sign3A_584 = arith.constant 0 : i32
      %sign3A_585 = arith.cmpi slt, %jit3A_572, %sign3A_584 : i32
      %sign3A_586 = arith.extui %sign3A_585 : i1 to i32
      %sign3A_587 = arith.subi %sign3A_583, %sign3A_586 : i32
      %ne3A_588 = arith.cmpi ne, %sign3A_580, %sign3A_587 : i32
      %rem3A_589 = arith.remsi %add3A_571, %jit3A_572 : i32
      %ne3A_590 = arith.constant 0 : i32
      %ne3A_591 = arith.cmpi ne, %rem3A_589, %ne3A_590 : i32
      %and3A_592 = arith.andi %ne3A_588, %ne3A_591 : i1
      %sub3A_593 = arith.constant 1 : i32
      %sub3A_594 = arith.subi %div3A_573, %sub3A_593 : i32
      %select_n3A_595 = arith.select %and3A_592, %sub3A_594, %div3A_573 : i32
      %jit3A_596 = arith.constant 32 : i32
      %eq3A_597 = arith.constant 0 : i32
      %eq3A_598 = arith.cmpi eq, %jit3A_596, %eq3A_597 : i32
      %jit3A_599 = arith.constant 1 : i32
      %select_n3A_600 = arith.select %eq3A_598, %jit3A_599, %jit3A_596 : i32
      %rem3A_601 = arith.remsi %add3A_571, %select_n3A_600 : i32
      %ne3A_602 = arith.constant 0 : i32
      %ne3A_603 = arith.cmpi ne, %rem3A_601, %ne3A_602 : i32
      %lt3A_604 = arith.constant 0 : i32
      %lt3A_605 = arith.cmpi slt, %rem3A_601, %lt3A_604 : i32
      %lt3A_606 = arith.constant 0 : i32
      %lt3A_607 = arith.cmpi slt, %select_n3A_600, %lt3A_606 : i32
      %ne3A_608 = arith.xori %lt3A_605, %lt3A_607 : i1
      %and3A_609 = arith.andi %ne3A_608, %ne3A_603 : i1
      %add3A_610 = arith.addi %rem3A_601, %select_n3A_600 : i32
      %select_n3A_611 = arith.select %and3A_609, %add3A_610, %rem3A_601 : i32
      %mul3A_612 = arith.constant 128 : i32
      %mul3A_613 = arith.muli %select_n3A_611, %mul3A_612 : i32
      %dma_wait3A_614 = arith.constant 0 : i32
      %dma_wait3A_615 = tpu.memref_slice %arg4[%select_n3A_595, %mul3A_613, %dma_wait3A_614] : memref<200x4096x32xf32, #tpu.memory_space<hbm>> -> memref<1x128x32xf32, #tpu.memory_space<hbm>>
      %dma_wait3A_616 = tpu.memref_squeeze %dma_wait3A_615 : memref<1x128x32xf32, #tpu.memory_space<hbm>> -> memref<128x32xf32, #tpu.memory_space<hbm>>
      %dma_wait3A_617 = arith.constant 0 : i32
      %dma_wait3A_618 = tpu.memref_slice %arg4[%select_n3A_595, %mul3A_613, %dma_wait3A_617] : memref<200x4096x32xf32, #tpu.memory_space<hbm>> -> memref<1x128x32xf32, #tpu.memory_space<hbm>>
      %dma_wait3A_619 = tpu.memref_squeeze %dma_wait3A_618 : memref<1x128x32xf32, #tpu.memory_space<hbm>> -> memref<128x32xf32, #tpu.memory_space<hbm>>
      tpu.wait_dma2 semaphore(%arg22 : memref<!tpu.dma_semaphore, #tpu.memory_space<semaphore_mem>>) src(%arg6 : memref<128x32xf32, #tpu.memory_space<vmem>>) dst(%dma_wait3A_619 : memref<128x32xf32, #tpu.memory_space<hbm>>)
      %lt3A_620 = arith.constant 24 : i32
      %lt3A_621 = arith.cmpi slt, %scan3A_224, %lt3A_620 : i32
      %convert_element_type3A_622 = arith.extui %lt3A_621 : i1 to i32
      %cond3A_623 = arith.constant 0 : i32
      %cond3A_624 = arith.cmpi ne, %convert_element_type3A_622, %cond3A_623 : i32
      scf.if %cond3A_624 {
        %add3A_970 = arith.constant 4 : i32
        %add3A_971 = arith.addi %add3A_513, %add3A_970 : i32
        %dma_start3A_972 = arith.constant 0 : i32
        %dma_start3A_973 = tpu.memref_slice %arg5[%add3A_971, %dma_start3A_972] : memref<200x128xi32, #tpu.memory_space<vmem>> -> memref<1x128xi32, #tpu.memory_space<vmem>>
        %dma_start3A_974 = tpu.memref_squeeze %dma_start3A_973 : memref<1x128xi32, #tpu.memory_space<vmem>> -> memref<128xi32, #tpu.memory_space<vmem>>
        %dma_start3A_975 = arith.constant 0 : i32
        %dma_start3A_976 = arith.constant 0 : i32
        %dma_start3A_977 = tpu.memref_slice %arg3[%dma_start3A_975, %dma_start3A_976] : memref<4000000x32xf32, #tpu.memory_space<hbm>> -> memref<4000000x32xf32, #tpu.memory_space<hbm>>
        tpu.enqueue_indirect_dma source(%dma_start3A_977 : memref<4000000x32xf32, #tpu.memory_space<hbm>>) target(%arg6 : memref<128x32xf32, #tpu.memory_space<vmem>>) offsets(%dma_start3A_974 : memref<128xi32, #tpu.memory_space<vmem>>) semaphore(%arg14 : memref<!tpu.dma_semaphore, #tpu.memory_space<semaphore_mem>>)
      } else {
      }
      %mul3A_625 = arith.constant 8 : i32
      %mul3A_626 = arith.muli %scan3A_224, %mul3A_625 : i32
      %add3A_627 = arith.constant 5 : i32
      %add3A_628 = arith.addi %mul3A_626, %add3A_627 : i32
      %dma_wait3A_629 = arith.constant 0 : i32
      %dma_wait3A_630 = tpu.memref_slice %arg5[%add3A_628, %dma_wait3A_629] : memref<200x128xi32, #tpu.memory_space<vmem>> -> memref<1x128xi32, #tpu.memory_space<vmem>>
      %dma_wait3A_631 = tpu.memref_squeeze %dma_wait3A_630 : memref<1x128xi32, #tpu.memory_space<vmem>> -> memref<128xi32, #tpu.memory_space<vmem>>
      %dma_wait3A_632 = arith.constant 0 : i32
      %dma_wait3A_633 = arith.constant 0 : i32
      %dma_wait3A_634 = tpu.memref_slice %arg3[%dma_wait3A_632, %dma_wait3A_633] : memref<4000000x32xf32, #tpu.memory_space<hbm>> -> memref<4000000x32xf32, #tpu.memory_space<hbm>>
      tpu.wait_indirect_dma semaphore(%arg19 : memref<!tpu.dma_semaphore, #tpu.memory_space<semaphore_mem>>) src(%dma_wait3A_634 : memref<4000000x32xf32, #tpu.memory_space<hbm>>) dst(%arg11 : memref<128x32xf32, #tpu.memory_space<vmem>>)
      %add3A_635 = arith.addi %mul3A_2, %add3A_628 : i32
      %jit3A_636 = arith.constant 32 : i32
      %div3A_637 = arith.divsi %add3A_635, %jit3A_636 : i32
      %sign3A_638 = arith.constant 0 : i32
      %sign3A_639 = arith.cmpi sgt, %add3A_635, %sign3A_638 : i32
      %sign3A_640 = arith.extui %sign3A_639 : i1 to i32
      %sign3A_641 = arith.constant 0 : i32
      %sign3A_642 = arith.cmpi slt, %add3A_635, %sign3A_641 : i32
      %sign3A_643 = arith.extui %sign3A_642 : i1 to i32
      %sign3A_644 = arith.subi %sign3A_640, %sign3A_643 : i32
      %sign3A_645 = arith.constant 0 : i32
      %sign3A_646 = arith.cmpi sgt, %jit3A_636, %sign3A_645 : i32
      %sign3A_647 = arith.extui %sign3A_646 : i1 to i32
      %sign3A_648 = arith.constant 0 : i32
      %sign3A_649 = arith.cmpi slt, %jit3A_636, %sign3A_648 : i32
      %sign3A_650 = arith.extui %sign3A_649 : i1 to i32
      %sign3A_651 = arith.subi %sign3A_647, %sign3A_650 : i32
      %ne3A_652 = arith.cmpi ne, %sign3A_644, %sign3A_651 : i32
      %rem3A_653 = arith.remsi %add3A_635, %jit3A_636 : i32
      %ne3A_654 = arith.constant 0 : i32
      %ne3A_655 = arith.cmpi ne, %rem3A_653, %ne3A_654 : i32
      %and3A_656 = arith.andi %ne3A_652, %ne3A_655 : i1
      %sub3A_657 = arith.constant 1 : i32
      %sub3A_658 = arith.subi %div3A_637, %sub3A_657 : i32
      %select_n3A_659 = arith.select %and3A_656, %sub3A_658, %div3A_637 : i32
      %jit3A_660 = arith.constant 32 : i32
      %eq3A_661 = arith.constant 0 : i32
      %eq3A_662 = arith.cmpi eq, %jit3A_660, %eq3A_661 : i32
      %jit3A_663 = arith.constant 1 : i32
      %select_n3A_664 = arith.select %eq3A_662, %jit3A_663, %jit3A_660 : i32
      %rem3A_665 = arith.remsi %add3A_635, %select_n3A_664 : i32
      %ne3A_666 = arith.constant 0 : i32
      %ne3A_667 = arith.cmpi ne, %rem3A_665, %ne3A_666 : i32
      %lt3A_668 = arith.constant 0 : i32
      %lt3A_669 = arith.cmpi slt, %rem3A_665, %lt3A_668 : i32
      %lt3A_670 = arith.constant 0 : i32
      %lt3A_671 = arith.cmpi slt, %select_n3A_664, %lt3A_670 : i32
      %ne3A_672 = arith.xori %lt3A_669, %lt3A_671 : i1
      %and3A_673 = arith.andi %ne3A_672, %ne3A_667 : i1
      %add3A_674 = arith.addi %rem3A_665, %select_n3A_664 : i32
      %select_n3A_675 = arith.select %and3A_673, %add3A_674, %rem3A_665 : i32
      %mul3A_676 = arith.constant 128 : i32
      %mul3A_677 = arith.muli %select_n3A_675, %mul3A_676 : i32
      %dma_start3A_678 = arith.constant 0 : i32
      %dma_start3A_679 = tpu.memref_slice %arg4[%select_n3A_659, %mul3A_677, %dma_start3A_678] : memref<200x4096x32xf32, #tpu.memory_space<hbm>> -> memref<1x128x32xf32, #tpu.memory_space<hbm>>
      %dma_start3A_680 = tpu.memref_squeeze %dma_start3A_679 : memref<1x128x32xf32, #tpu.memory_space<hbm>> -> memref<128x32xf32, #tpu.memory_space<hbm>>
      %dma_start3A_681 = arith.constant 0 : i32
      %dma_start3A_682 = tpu.memref_slice %arg4[%select_n3A_659, %mul3A_677, %dma_start3A_681] : memref<200x4096x32xf32, #tpu.memory_space<hbm>> -> memref<1x128x32xf32, #tpu.memory_space<hbm>>
      %dma_start3A_683 = tpu.memref_squeeze %dma_start3A_682 : memref<1x128x32xf32, #tpu.memory_space<hbm>> -> memref<128x32xf32, #tpu.memory_space<hbm>>
      tpu.enqueue_dma source(%arg11 : memref<128x32xf32, #tpu.memory_space<vmem>>) target(%dma_start3A_683 : memref<128x32xf32, #tpu.memory_space<hbm>>) target_semaphore(%arg27 : memref<!tpu.dma_semaphore, #tpu.memory_space<semaphore_mem>>)
      %sub3A_684 = arith.constant 4 : i32
      %sub3A_685 = arith.subi %add3A_628, %sub3A_684 : i32
      %add3A_686 = arith.addi %mul3A_2, %sub3A_685 : i32
      %jit3A_687 = arith.constant 32 : i32
      %div3A_688 = arith.divsi %add3A_686, %jit3A_687 : i32
      %sign3A_689 = arith.constant 0 : i32
      %sign3A_690 = arith.cmpi sgt, %add3A_686, %sign3A_689 : i32
      %sign3A_691 = arith.extui %sign3A_690 : i1 to i32
      %sign3A_692 = arith.constant 0 : i32
      %sign3A_693 = arith.cmpi slt, %add3A_686, %sign3A_692 : i32
      %sign3A_694 = arith.extui %sign3A_693 : i1 to i32
      %sign3A_695 = arith.subi %sign3A_691, %sign3A_694 : i32
      %sign3A_696 = arith.constant 0 : i32
      %sign3A_697 = arith.cmpi sgt, %jit3A_687, %sign3A_696 : i32
      %sign3A_698 = arith.extui %sign3A_697 : i1 to i32
      %sign3A_699 = arith.constant 0 : i32
      %sign3A_700 = arith.cmpi slt, %jit3A_687, %sign3A_699 : i32
      %sign3A_701 = arith.extui %sign3A_700 : i1 to i32
      %sign3A_702 = arith.subi %sign3A_698, %sign3A_701 : i32
      %ne3A_703 = arith.cmpi ne, %sign3A_695, %sign3A_702 : i32
      %rem3A_704 = arith.remsi %add3A_686, %jit3A_687 : i32
      %ne3A_705 = arith.constant 0 : i32
      %ne3A_706 = arith.cmpi ne, %rem3A_704, %ne3A_705 : i32
      %and3A_707 = arith.andi %ne3A_703, %ne3A_706 : i1
      %sub3A_708 = arith.constant 1 : i32
      %sub3A_709 = arith.subi %div3A_688, %sub3A_708 : i32
      %select_n3A_710 = arith.select %and3A_707, %sub3A_709, %div3A_688 : i32
      %jit3A_711 = arith.constant 32 : i32
      %eq3A_712 = arith.constant 0 : i32
      %eq3A_713 = arith.cmpi eq, %jit3A_711, %eq3A_712 : i32
      %jit3A_714 = arith.constant 1 : i32
      %select_n3A_715 = arith.select %eq3A_713, %jit3A_714, %jit3A_711 : i32
      %rem3A_716 = arith.remsi %add3A_686, %select_n3A_715 : i32
      %ne3A_717 = arith.constant 0 : i32
      %ne3A_718 = arith.cmpi ne, %rem3A_716, %ne3A_717 : i32
      %lt3A_719 = arith.constant 0 : i32
      %lt3A_720 = arith.cmpi slt, %rem3A_716, %lt3A_719 : i32
      %lt3A_721 = arith.constant 0 : i32
      %lt3A_722 = arith.cmpi slt, %select_n3A_715, %lt3A_721 : i32
      %ne3A_723 = arith.xori %lt3A_720, %lt3A_722 : i1
      %and3A_724 = arith.andi %ne3A_723, %ne3A_718 : i1
      %add3A_725 = arith.addi %rem3A_716, %select_n3A_715 : i32
      %select_n3A_726 = arith.select %and3A_724, %add3A_725, %rem3A_716 : i32
      %mul3A_727 = arith.constant 128 : i32
      %mul3A_728 = arith.muli %select_n3A_726, %mul3A_727 : i32
      %dma_wait3A_729 = arith.constant 0 : i32
      %dma_wait3A_730 = tpu.memref_slice %arg4[%select_n3A_710, %mul3A_728, %dma_wait3A_729] : memref<200x4096x32xf32, #tpu.memory_space<hbm>> -> memref<1x128x32xf32, #tpu.memory_space<hbm>>
      %dma_wait3A_731 = tpu.memref_squeeze %dma_wait3A_730 : memref<1x128x32xf32, #tpu.memory_space<hbm>> -> memref<128x32xf32, #tpu.memory_space<hbm>>
      %dma_wait3A_732 = arith.constant 0 : i32
      %dma_wait3A_733 = tpu.memref_slice %arg4[%select_n3A_710, %mul3A_728, %dma_wait3A_732] : memref<200x4096x32xf32, #tpu.memory_space<hbm>> -> memref<1x128x32xf32, #tpu.memory_space<hbm>>
      %dma_wait3A_734 = tpu.memref_squeeze %dma_wait3A_733 : memref<1x128x32xf32, #tpu.memory_space<hbm>> -> memref<128x32xf32, #tpu.memory_space<hbm>>
      tpu.wait_dma2 semaphore(%arg23 : memref<!tpu.dma_semaphore, #tpu.memory_space<semaphore_mem>>) src(%arg7 : memref<128x32xf32, #tpu.memory_space<vmem>>) dst(%dma_wait3A_734 : memref<128x32xf32, #tpu.memory_space<hbm>>)
      %lt3A_735 = arith.constant 24 : i32
      %lt3A_736 = arith.cmpi slt, %scan3A_224, %lt3A_735 : i32
      %convert_element_type3A_737 = arith.extui %lt3A_736 : i1 to i32
      %cond3A_738 = arith.constant 0 : i32
      %cond3A_739 = arith.cmpi ne, %convert_element_type3A_737, %cond3A_738 : i32
      scf.if %cond3A_739 {
        %add3A_970 = arith.constant 4 : i32
        %add3A_971 = arith.addi %add3A_628, %add3A_970 : i32
        %dma_start3A_972 = arith.constant 0 : i32
        %dma_start3A_973 = tpu.memref_slice %arg5[%add3A_971, %dma_start3A_972] : memref<200x128xi32, #tpu.memory_space<vmem>> -> memref<1x128xi32, #tpu.memory_space<vmem>>
        %dma_start3A_974 = tpu.memref_squeeze %dma_start3A_973 : memref<1x128xi32, #tpu.memory_space<vmem>> -> memref<128xi32, #tpu.memory_space<vmem>>
        %dma_start3A_975 = arith.constant 0 : i32
        %dma_start3A_976 = arith.constant 0 : i32
        %dma_start3A_977 = tpu.memref_slice %arg3[%dma_start3A_975, %dma_start3A_976] : memref<4000000x32xf32, #tpu.memory_space<hbm>> -> memref<4000000x32xf32, #tpu.memory_space<hbm>>
        tpu.enqueue_indirect_dma source(%dma_start3A_977 : memref<4000000x32xf32, #tpu.memory_space<hbm>>) target(%arg7 : memref<128x32xf32, #tpu.memory_space<vmem>>) offsets(%dma_start3A_974 : memref<128xi32, #tpu.memory_space<vmem>>) semaphore(%arg15 : memref<!tpu.dma_semaphore, #tpu.memory_space<semaphore_mem>>)
      } else {
      }
      %mul3A_740 = arith.constant 8 : i32
      %mul3A_741 = arith.muli %scan3A_224, %mul3A_740 : i32
      %add3A_742 = arith.constant 6 : i32
      %add3A_743 = arith.addi %mul3A_741, %add3A_742 : i32
      %dma_wait3A_744 = arith.constant 0 : i32
      %dma_wait3A_745 = tpu.memref_slice %arg5[%add3A_743, %dma_wait3A_744] : memref<200x128xi32, #tpu.memory_space<vmem>> -> memref<1x128xi32, #tpu.memory_space<vmem>>
      %dma_wait3A_746 = tpu.memref_squeeze %dma_wait3A_745 : memref<1x128xi32, #tpu.memory_space<vmem>> -> memref<128xi32, #tpu.memory_space<vmem>>
      %dma_wait3A_747 = arith.constant 0 : i32
      %dma_wait3A_748 = arith.constant 0 : i32
      %dma_wait3A_749 = tpu.memref_slice %arg3[%dma_wait3A_747, %dma_wait3A_748] : memref<4000000x32xf32, #tpu.memory_space<hbm>> -> memref<4000000x32xf32, #tpu.memory_space<hbm>>
      tpu.wait_indirect_dma semaphore(%arg20 : memref<!tpu.dma_semaphore, #tpu.memory_space<semaphore_mem>>) src(%dma_wait3A_749 : memref<4000000x32xf32, #tpu.memory_space<hbm>>) dst(%arg12 : memref<128x32xf32, #tpu.memory_space<vmem>>)
      %add3A_750 = arith.addi %mul3A_2, %add3A_743 : i32
      %jit3A_751 = arith.constant 32 : i32
      %div3A_752 = arith.divsi %add3A_750, %jit3A_751 : i32
      %sign3A_753 = arith.constant 0 : i32
      %sign3A_754 = arith.cmpi sgt, %add3A_750, %sign3A_753 : i32
      %sign3A_755 = arith.extui %sign3A_754 : i1 to i32
      %sign3A_756 = arith.constant 0 : i32
      %sign3A_757 = arith.cmpi slt, %add3A_750, %sign3A_756 : i32
      %sign3A_758 = arith.extui %sign3A_757 : i1 to i32
      %sign3A_759 = arith.subi %sign3A_755, %sign3A_758 : i32
      %sign3A_760 = arith.constant 0 : i32
      %sign3A_761 = arith.cmpi sgt, %jit3A_751, %sign3A_760 : i32
      %sign3A_762 = arith.extui %sign3A_761 : i1 to i32
      %sign3A_763 = arith.constant 0 : i32
      %sign3A_764 = arith.cmpi slt, %jit3A_751, %sign3A_763 : i32
      %sign3A_765 = arith.extui %sign3A_764 : i1 to i32
      %sign3A_766 = arith.subi %sign3A_762, %sign3A_765 : i32
      %ne3A_767 = arith.cmpi ne, %sign3A_759, %sign3A_766 : i32
      %rem3A_768 = arith.remsi %add3A_750, %jit3A_751 : i32
      %ne3A_769 = arith.constant 0 : i32
      %ne3A_770 = arith.cmpi ne, %rem3A_768, %ne3A_769 : i32
      %and3A_771 = arith.andi %ne3A_767, %ne3A_770 : i1
      %sub3A_772 = arith.constant 1 : i32
      %sub3A_773 = arith.subi %div3A_752, %sub3A_772 : i32
      %select_n3A_774 = arith.select %and3A_771, %sub3A_773, %div3A_752 : i32
      %jit3A_775 = arith.constant 32 : i32
      %eq3A_776 = arith.constant 0 : i32
      %eq3A_777 = arith.cmpi eq, %jit3A_775, %eq3A_776 : i32
      %jit3A_778 = arith.constant 1 : i32
      %select_n3A_779 = arith.select %eq3A_777, %jit3A_778, %jit3A_775 : i32
      %rem3A_780 = arith.remsi %add3A_750, %select_n3A_779 : i32
      %ne3A_781 = arith.constant 0 : i32
      %ne3A_782 = arith.cmpi ne, %rem3A_780, %ne3A_781 : i32
      %lt3A_783 = arith.constant 0 : i32
      %lt3A_784 = arith.cmpi slt, %rem3A_780, %lt3A_783 : i32
      %lt3A_785 = arith.constant 0 : i32
      %lt3A_786 = arith.cmpi slt, %select_n3A_779, %lt3A_785 : i32
      %ne3A_787 = arith.xori %lt3A_784, %lt3A_786 : i1
      %and3A_788 = arith.andi %ne3A_787, %ne3A_782 : i1
      %add3A_789 = arith.addi %rem3A_780, %select_n3A_779 : i32
      %select_n3A_790 = arith.select %and3A_788, %add3A_789, %rem3A_780 : i32
      %mul3A_791 = arith.constant 128 : i32
      %mul3A_792 = arith.muli %select_n3A_790, %mul3A_791 : i32
      %dma_start3A_793 = arith.constant 0 : i32
      %dma_start3A_794 = tpu.memref_slice %arg4[%select_n3A_774, %mul3A_792, %dma_start3A_793] : memref<200x4096x32xf32, #tpu.memory_space<hbm>> -> memref<1x128x32xf32, #tpu.memory_space<hbm>>
      %dma_start3A_795 = tpu.memref_squeeze %dma_start3A_794 : memref<1x128x32xf32, #tpu.memory_space<hbm>> -> memref<128x32xf32, #tpu.memory_space<hbm>>
      %dma_start3A_796 = arith.constant 0 : i32
      %dma_start3A_797 = tpu.memref_slice %arg4[%select_n3A_774, %mul3A_792, %dma_start3A_796] : memref<200x4096x32xf32, #tpu.memory_space<hbm>> -> memref<1x128x32xf32, #tpu.memory_space<hbm>>
      %dma_start3A_798 = tpu.memref_squeeze %dma_start3A_797 : memref<1x128x32xf32, #tpu.memory_space<hbm>> -> memref<128x32xf32, #tpu.memory_space<hbm>>
      tpu.enqueue_dma source(%arg12 : memref<128x32xf32, #tpu.memory_space<vmem>>) target(%dma_start3A_798 : memref<128x32xf32, #tpu.memory_space<hbm>>) target_semaphore(%arg28 : memref<!tpu.dma_semaphore, #tpu.memory_space<semaphore_mem>>)
      %sub3A_799 = arith.constant 4 : i32
      %sub3A_800 = arith.subi %add3A_743, %sub3A_799 : i32
      %add3A_801 = arith.addi %mul3A_2, %sub3A_800 : i32
      %jit3A_802 = arith.constant 32 : i32
      %div3A_803 = arith.divsi %add3A_801, %jit3A_802 : i32
      %sign3A_804 = arith.constant 0 : i32
      %sign3A_805 = arith.cmpi sgt, %add3A_801, %sign3A_804 : i32
      %sign3A_806 = arith.extui %sign3A_805 : i1 to i32
      %sign3A_807 = arith.constant 0 : i32
      %sign3A_808 = arith.cmpi slt, %add3A_801, %sign3A_807 : i32
      %sign3A_809 = arith.extui %sign3A_808 : i1 to i32
      %sign3A_810 = arith.subi %sign3A_806, %sign3A_809 : i32
      %sign3A_811 = arith.constant 0 : i32
      %sign3A_812 = arith.cmpi sgt, %jit3A_802, %sign3A_811 : i32
      %sign3A_813 = arith.extui %sign3A_812 : i1 to i32
      %sign3A_814 = arith.constant 0 : i32
      %sign3A_815 = arith.cmpi slt, %jit3A_802, %sign3A_814 : i32
      %sign3A_816 = arith.extui %sign3A_815 : i1 to i32
      %sign3A_817 = arith.subi %sign3A_813, %sign3A_816 : i32
      %ne3A_818 = arith.cmpi ne, %sign3A_810, %sign3A_817 : i32
      %rem3A_819 = arith.remsi %add3A_801, %jit3A_802 : i32
      %ne3A_820 = arith.constant 0 : i32
      %ne3A_821 = arith.cmpi ne, %rem3A_819, %ne3A_820 : i32
      %and3A_822 = arith.andi %ne3A_818, %ne3A_821 : i1
      %sub3A_823 = arith.constant 1 : i32
      %sub3A_824 = arith.subi %div3A_803, %sub3A_823 : i32
      %select_n3A_825 = arith.select %and3A_822, %sub3A_824, %div3A_803 : i32
      %jit3A_826 = arith.constant 32 : i32
      %eq3A_827 = arith.constant 0 : i32
      %eq3A_828 = arith.cmpi eq, %jit3A_826, %eq3A_827 : i32
      %jit3A_829 = arith.constant 1 : i32
      %select_n3A_830 = arith.select %eq3A_828, %jit3A_829, %jit3A_826 : i32
      %rem3A_831 = arith.remsi %add3A_801, %select_n3A_830 : i32
      %ne3A_832 = arith.constant 0 : i32
      %ne3A_833 = arith.cmpi ne, %rem3A_831, %ne3A_832 : i32
      %lt3A_834 = arith.constant 0 : i32
      %lt3A_835 = arith.cmpi slt, %rem3A_831, %lt3A_834 : i32
      %lt3A_836 = arith.constant 0 : i32
      %lt3A_837 = arith.cmpi slt, %select_n3A_830, %lt3A_836 : i32
      %ne3A_838 = arith.xori %lt3A_835, %lt3A_837 : i1
      %and3A_839 = arith.andi %ne3A_838, %ne3A_833 : i1
      %add3A_840 = arith.addi %rem3A_831, %select_n3A_830 : i32
      %select_n3A_841 = arith.select %and3A_839, %add3A_840, %rem3A_831 : i32
      %mul3A_842 = arith.constant 128 : i32
      %mul3A_843 = arith.muli %select_n3A_841, %mul3A_842 : i32
      %dma_wait3A_844 = arith.constant 0 : i32
      %dma_wait3A_845 = tpu.memref_slice %arg4[%select_n3A_825, %mul3A_843, %dma_wait3A_844] : memref<200x4096x32xf32, #tpu.memory_space<hbm>> -> memref<1x128x32xf32, #tpu.memory_space<hbm>>
      %dma_wait3A_846 = tpu.memref_squeeze %dma_wait3A_845 : memref<1x128x32xf32, #tpu.memory_space<hbm>> -> memref<128x32xf32, #tpu.memory_space<hbm>>
      %dma_wait3A_847 = arith.constant 0 : i32
      %dma_wait3A_848 = tpu.memref_slice %arg4[%select_n3A_825, %mul3A_843, %dma_wait3A_847] : memref<200x4096x32xf32, #tpu.memory_space<hbm>> -> memref<1x128x32xf32, #tpu.memory_space<hbm>>
      %dma_wait3A_849 = tpu.memref_squeeze %dma_wait3A_848 : memref<1x128x32xf32, #tpu.memory_space<hbm>> -> memref<128x32xf32, #tpu.memory_space<hbm>>
      tpu.wait_dma2 semaphore(%arg24 : memref<!tpu.dma_semaphore, #tpu.memory_space<semaphore_mem>>) src(%arg8 : memref<128x32xf32, #tpu.memory_space<vmem>>) dst(%dma_wait3A_849 : memref<128x32xf32, #tpu.memory_space<hbm>>)
      %lt3A_850 = arith.constant 24 : i32
      %lt3A_851 = arith.cmpi slt, %scan3A_224, %lt3A_850 : i32
      %convert_element_type3A_852 = arith.extui %lt3A_851 : i1 to i32
      %cond3A_853 = arith.constant 0 : i32
      %cond3A_854 = arith.cmpi ne, %convert_element_type3A_852, %cond3A_853 : i32
      scf.if %cond3A_854 {
        %add3A_970 = arith.constant 4 : i32
        %add3A_971 = arith.addi %add3A_743, %add3A_970 : i32
        %dma_start3A_972 = arith.constant 0 : i32
        %dma_start3A_973 = tpu.memref_slice %arg5[%add3A_971, %dma_start3A_972] : memref<200x128xi32, #tpu.memory_space<vmem>> -> memref<1x128xi32, #tpu.memory_space<vmem>>
        %dma_start3A_974 = tpu.memref_squeeze %dma_start3A_973 : memref<1x128xi32, #tpu.memory_space<vmem>> -> memref<128xi32, #tpu.memory_space<vmem>>
        %dma_start3A_975 = arith.constant 0 : i32
        %dma_start3A_976 = arith.constant 0 : i32
        %dma_start3A_977 = tpu.memref_slice %arg3[%dma_start3A_975, %dma_start3A_976] : memref<4000000x32xf32, #tpu.memory_space<hbm>> -> memref<4000000x32xf32, #tpu.memory_space<hbm>>
        tpu.enqueue_indirect_dma source(%dma_start3A_977 : memref<4000000x32xf32, #tpu.memory_space<hbm>>) target(%arg8 : memref<128x32xf32, #tpu.memory_space<vmem>>) offsets(%dma_start3A_974 : memref<128xi32, #tpu.memory_space<vmem>>) semaphore(%arg16 : memref<!tpu.dma_semaphore, #tpu.memory_space<semaphore_mem>>)
      } else {
      }
      %mul3A_855 = arith.constant 8 : i32
      %mul3A_856 = arith.muli %scan3A_224, %mul3A_855 : i32
      %add3A_857 = arith.constant 7 : i32
      %add3A_858 = arith.addi %mul3A_856, %add3A_857 : i32
      %dma_wait3A_859 = arith.constant 0 : i32
      %dma_wait3A_860 = tpu.memref_slice %arg5[%add3A_858, %dma_wait3A_859] : memref<200x128xi32, #tpu.memory_space<vmem>> -> memref<1x128xi32, #tpu.memory_space<vmem>>
      %dma_wait3A_861 = tpu.memref_squeeze %dma_wait3A_860 : memref<1x128xi32, #tpu.memory_space<vmem>> -> memref<128xi32, #tpu.memory_space<vmem>>
      %dma_wait3A_862 = arith.constant 0 : i32
      %dma_wait3A_863 = arith.constant 0 : i32
      %dma_wait3A_864 = tpu.memref_slice %arg3[%dma_wait3A_862, %dma_wait3A_863] : memref<4000000x32xf32, #tpu.memory_space<hbm>> -> memref<4000000x32xf32, #tpu.memory_space<hbm>>
      tpu.wait_indirect_dma semaphore(%arg21 : memref<!tpu.dma_semaphore, #tpu.memory_space<semaphore_mem>>) src(%dma_wait3A_864 : memref<4000000x32xf32, #tpu.memory_space<hbm>>) dst(%arg13 : memref<128x32xf32, #tpu.memory_space<vmem>>)
      %add3A_865 = arith.addi %mul3A_2, %add3A_858 : i32
      %jit3A_866 = arith.constant 32 : i32
      %div3A_867 = arith.divsi %add3A_865, %jit3A_866 : i32
      %sign3A_868 = arith.constant 0 : i32
      %sign3A_869 = arith.cmpi sgt, %add3A_865, %sign3A_868 : i32
      %sign3A_870 = arith.extui %sign3A_869 : i1 to i32
      %sign3A_871 = arith.constant 0 : i32
      %sign3A_872 = arith.cmpi slt, %add3A_865, %sign3A_871 : i32
      %sign3A_873 = arith.extui %sign3A_872 : i1 to i32
      %sign3A_874 = arith.subi %sign3A_870, %sign3A_873 : i32
      %sign3A_875 = arith.constant 0 : i32
      %sign3A_876 = arith.cmpi sgt, %jit3A_866, %sign3A_875 : i32
      %sign3A_877 = arith.extui %sign3A_876 : i1 to i32
      %sign3A_878 = arith.constant 0 : i32
      %sign3A_879 = arith.cmpi slt, %jit3A_866, %sign3A_878 : i32
      %sign3A_880 = arith.extui %sign3A_879 : i1 to i32
      %sign3A_881 = arith.subi %sign3A_877, %sign3A_880 : i32
      %ne3A_882 = arith.cmpi ne, %sign3A_874, %sign3A_881 : i32
      %rem3A_883 = arith.remsi %add3A_865, %jit3A_866 : i32
      %ne3A_884 = arith.constant 0 : i32
      %ne3A_885 = arith.cmpi ne, %rem3A_883, %ne3A_884 : i32
      %and3A_886 = arith.andi %ne3A_882, %ne3A_885 : i1
      %sub3A_887 = arith.constant 1 : i32
      %sub3A_888 = arith.subi %div3A_867, %sub3A_887 : i32
      %select_n3A_889 = arith.select %and3A_886, %sub3A_888, %div3A_867 : i32
      %jit3A_890 = arith.constant 32 : i32
      %eq3A_891 = arith.constant 0 : i32
      %eq3A_892 = arith.cmpi eq, %jit3A_890, %eq3A_891 : i32
      %jit3A_893 = arith.constant 1 : i32
      %select_n3A_894 = arith.select %eq3A_892, %jit3A_893, %jit3A_890 : i32
      %rem3A_895 = arith.remsi %add3A_865, %select_n3A_894 : i32
      %ne3A_896 = arith.constant 0 : i32
      %ne3A_897 = arith.cmpi ne, %rem3A_895, %ne3A_896 : i32
      %lt3A_898 = arith.constant 0 : i32
      %lt3A_899 = arith.cmpi slt, %rem3A_895, %lt3A_898 : i32
      %lt3A_900 = arith.constant 0 : i32
      %lt3A_901 = arith.cmpi slt, %select_n3A_894, %lt3A_900 : i32
      %ne3A_902 = arith.xori %lt3A_899, %lt3A_901 : i1
      %and3A_903 = arith.andi %ne3A_902, %ne3A_897 : i1
      %add3A_904 = arith.addi %rem3A_895, %select_n3A_894 : i32
      %select_n3A_905 = arith.select %and3A_903, %add3A_904, %rem3A_895 : i32
      %mul3A_906 = arith.constant 128 : i32
      %mul3A_907 = arith.muli %select_n3A_905, %mul3A_906 : i32
      %dma_start3A_908 = arith.constant 0 : i32
      %dma_start3A_909 = tpu.memref_slice %arg4[%select_n3A_889, %mul3A_907, %dma_start3A_908] : memref<200x4096x32xf32, #tpu.memory_space<hbm>> -> memref<1x128x32xf32, #tpu.memory_space<hbm>>
      %dma_start3A_910 = tpu.memref_squeeze %dma_start3A_909 : memref<1x128x32xf32, #tpu.memory_space<hbm>> -> memref<128x32xf32, #tpu.memory_space<hbm>>
      %dma_start3A_911 = arith.constant 0 : i32
      %dma_start3A_912 = tpu.memref_slice %arg4[%select_n3A_889, %mul3A_907, %dma_start3A_911] : memref<200x4096x32xf32, #tpu.memory_space<hbm>> -> memref<1x128x32xf32, #tpu.memory_space<hbm>>
      %dma_start3A_913 = tpu.memref_squeeze %dma_start3A_912 : memref<1x128x32xf32, #tpu.memory_space<hbm>> -> memref<128x32xf32, #tpu.memory_space<hbm>>
      tpu.enqueue_dma source(%arg13 : memref<128x32xf32, #tpu.memory_space<vmem>>) target(%dma_start3A_913 : memref<128x32xf32, #tpu.memory_space<hbm>>) target_semaphore(%arg29 : memref<!tpu.dma_semaphore, #tpu.memory_space<semaphore_mem>>)
      %sub3A_914 = arith.constant 4 : i32
      %sub3A_915 = arith.subi %add3A_858, %sub3A_914 : i32
      %add3A_916 = arith.addi %mul3A_2, %sub3A_915 : i32
      %jit3A_917 = arith.constant 32 : i32
      %div3A_918 = arith.divsi %add3A_916, %jit3A_917 : i32
      %sign3A_919 = arith.constant 0 : i32
      %sign3A_920 = arith.cmpi sgt, %add3A_916, %sign3A_919 : i32
      %sign3A_921 = arith.extui %sign3A_920 : i1 to i32
      %sign3A_922 = arith.constant 0 : i32
      %sign3A_923 = arith.cmpi slt, %add3A_916, %sign3A_922 : i32
      %sign3A_924 = arith.extui %sign3A_923 : i1 to i32
      %sign3A_925 = arith.subi %sign3A_921, %sign3A_924 : i32
      %sign3A_926 = arith.constant 0 : i32
      %sign3A_927 = arith.cmpi sgt, %jit3A_917, %sign3A_926 : i32
      %sign3A_928 = arith.extui %sign3A_927 : i1 to i32
      %sign3A_929 = arith.constant 0 : i32
      %sign3A_930 = arith.cmpi slt, %jit3A_917, %sign3A_929 : i32
      %sign3A_931 = arith.extui %sign3A_930 : i1 to i32
      %sign3A_932 = arith.subi %sign3A_928, %sign3A_931 : i32
      %ne3A_933 = arith.cmpi ne, %sign3A_925, %sign3A_932 : i32
      %rem3A_934 = arith.remsi %add3A_916, %jit3A_917 : i32
      %ne3A_935 = arith.constant 0 : i32
      %ne3A_936 = arith.cmpi ne, %rem3A_934, %ne3A_935 : i32
      %and3A_937 = arith.andi %ne3A_933, %ne3A_936 : i1
      %sub3A_938 = arith.constant 1 : i32
      %sub3A_939 = arith.subi %div3A_918, %sub3A_938 : i32
      %select_n3A_940 = arith.select %and3A_937, %sub3A_939, %div3A_918 : i32
      %jit3A_941 = arith.constant 32 : i32
      %eq3A_942 = arith.constant 0 : i32
      %eq3A_943 = arith.cmpi eq, %jit3A_941, %eq3A_942 : i32
      %jit3A_944 = arith.constant 1 : i32
      %select_n3A_945 = arith.select %eq3A_943, %jit3A_944, %jit3A_941 : i32
      %rem3A_946 = arith.remsi %add3A_916, %select_n3A_945 : i32
      %ne3A_947 = arith.constant 0 : i32
      %ne3A_948 = arith.cmpi ne, %rem3A_946, %ne3A_947 : i32
      %lt3A_949 = arith.constant 0 : i32
      %lt3A_950 = arith.cmpi slt, %rem3A_946, %lt3A_949 : i32
      %lt3A_951 = arith.constant 0 : i32
      %lt3A_952 = arith.cmpi slt, %select_n3A_945, %lt3A_951 : i32
      %ne3A_953 = arith.xori %lt3A_950, %lt3A_952 : i1
      %and3A_954 = arith.andi %ne3A_953, %ne3A_948 : i1
      %add3A_955 = arith.addi %rem3A_946, %select_n3A_945 : i32
      %select_n3A_956 = arith.select %and3A_954, %add3A_955, %rem3A_946 : i32
      %mul3A_957 = arith.constant 128 : i32
      %mul3A_958 = arith.muli %select_n3A_956, %mul3A_957 : i32
      %dma_wait3A_959 = arith.constant 0 : i32
      %dma_wait3A_960 = tpu.memref_slice %arg4[%select_n3A_940, %mul3A_958, %dma_wait3A_959] : memref<200x4096x32xf32, #tpu.memory_space<hbm>> -> memref<1x128x32xf32, #tpu.memory_space<hbm>>
      %dma_wait3A_961 = tpu.memref_squeeze %dma_wait3A_960 : memref<1x128x32xf32, #tpu.memory_space<hbm>> -> memref<128x32xf32, #tpu.memory_space<hbm>>
      %dma_wait3A_962 = arith.constant 0 : i32
      %dma_wait3A_963 = tpu.memref_slice %arg4[%select_n3A_940, %mul3A_958, %dma_wait3A_962] : memref<200x4096x32xf32, #tpu.memory_space<hbm>> -> memref<1x128x32xf32, #tpu.memory_space<hbm>>
      %dma_wait3A_964 = tpu.memref_squeeze %dma_wait3A_963 : memref<1x128x32xf32, #tpu.memory_space<hbm>> -> memref<128x32xf32, #tpu.memory_space<hbm>>
      tpu.wait_dma2 semaphore(%arg25 : memref<!tpu.dma_semaphore, #tpu.memory_space<semaphore_mem>>) src(%arg9 : memref<128x32xf32, #tpu.memory_space<vmem>>) dst(%dma_wait3A_964 : memref<128x32xf32, #tpu.memory_space<hbm>>)
      %lt3A_965 = arith.constant 24 : i32
      %lt3A_966 = arith.cmpi slt, %scan3A_224, %lt3A_965 : i32
      %convert_element_type3A_967 = arith.extui %lt3A_966 : i1 to i32
      %cond3A_968 = arith.constant 0 : i32
      %cond3A_969 = arith.cmpi ne, %convert_element_type3A_967, %cond3A_968 : i32
      scf.if %cond3A_969 {
        %add3A_970 = arith.constant 4 : i32
        %add3A_971 = arith.addi %add3A_858, %add3A_970 : i32
        %dma_start3A_972 = arith.constant 0 : i32
        %dma_start3A_973 = tpu.memref_slice %arg5[%add3A_971, %dma_start3A_972] : memref<200x128xi32, #tpu.memory_space<vmem>> -> memref<1x128xi32, #tpu.memory_space<vmem>>
        %dma_start3A_974 = tpu.memref_squeeze %dma_start3A_973 : memref<1x128xi32, #tpu.memory_space<vmem>> -> memref<128xi32, #tpu.memory_space<vmem>>
        %dma_start3A_975 = arith.constant 0 : i32
        %dma_start3A_976 = arith.constant 0 : i32
        %dma_start3A_977 = tpu.memref_slice %arg3[%dma_start3A_975, %dma_start3A_976] : memref<4000000x32xf32, #tpu.memory_space<hbm>> -> memref<4000000x32xf32, #tpu.memory_space<hbm>>
        tpu.enqueue_indirect_dma source(%dma_start3A_977 : memref<4000000x32xf32, #tpu.memory_space<hbm>>) target(%arg9 : memref<128x32xf32, #tpu.memory_space<vmem>>) offsets(%dma_start3A_974 : memref<128xi32, #tpu.memory_space<vmem>>) semaphore(%arg17 : memref<!tpu.dma_semaphore, #tpu.memory_space<semaphore_mem>>)
      } else {
      }
    }
    %scan3A_34 = arith.constant 25 : i32
    %add3A_35 = arith.constant 196 : i32
    %add3A_36 = arith.addi %mul3A_2, %add3A_35 : i32
    %jit3A = arith.constant 32 : i32
    %div3A = arith.divsi %add3A_36, %jit3A : i32
    %sign3A = arith.constant 0 : i32
    %sign3A_37 = arith.cmpi sgt, %add3A_36, %sign3A : i32
    %sign3A_38 = arith.extui %sign3A_37 : i1 to i32
    %sign3A_39 = arith.constant 0 : i32
    %sign3A_40 = arith.cmpi slt, %add3A_36, %sign3A_39 : i32
    %sign3A_41 = arith.extui %sign3A_40 : i1 to i32
    %sign3A_42 = arith.subi %sign3A_38, %sign3A_41 : i32
    %sign3A_43 = arith.constant 0 : i32
    %sign3A_44 = arith.cmpi sgt, %jit3A, %sign3A_43 : i32
    %sign3A_45 = arith.extui %sign3A_44 : i1 to i32
    %sign3A_46 = arith.constant 0 : i32
    %sign3A_47 = arith.cmpi slt, %jit3A, %sign3A_46 : i32
    %sign3A_48 = arith.extui %sign3A_47 : i1 to i32
    %sign3A_49 = arith.subi %sign3A_45, %sign3A_48 : i32
    %ne3A = arith.cmpi ne, %sign3A_42, %sign3A_49 : i32
    %rem3A = arith.remsi %add3A_36, %jit3A : i32
    %ne3A_50 = arith.constant 0 : i32
    %ne3A_51 = arith.cmpi ne, %rem3A, %ne3A_50 : i32
    %and3A = arith.andi %ne3A, %ne3A_51 : i1
    %sub3A = arith.constant 1 : i32
    %sub3A_52 = arith.subi %div3A, %sub3A : i32
    %select_n3A = arith.select %and3A, %sub3A_52, %div3A : i32
    %jit3A_53 = arith.constant 32 : i32
    %eq3A = arith.constant 0 : i32
    %eq3A_54 = arith.cmpi eq, %jit3A_53, %eq3A : i32
    %jit3A_55 = arith.constant 1 : i32
    %select_n3A_56 = arith.select %eq3A_54, %jit3A_55, %jit3A_53 : i32
    %rem3A_57 = arith.remsi %add3A_36, %select_n3A_56 : i32
    %ne3A_58 = arith.constant 0 : i32
    %ne3A_59 = arith.cmpi ne, %rem3A_57, %ne3A_58 : i32
    %lt3A = arith.constant 0 : i32
    %lt3A_60 = arith.cmpi slt, %rem3A_57, %lt3A : i32
    %lt3A_61 = arith.constant 0 : i32
    %lt3A_62 = arith.cmpi slt, %select_n3A_56, %lt3A_61 : i32
    %ne3A_63 = arith.xori %lt3A_60, %lt3A_62 : i1
    %and3A_64 = arith.andi %ne3A_63, %ne3A_59 : i1
    %add3A_65 = arith.addi %rem3A_57, %select_n3A_56 : i32
    %select_n3A_66 = arith.select %and3A_64, %add3A_65, %rem3A_57 : i32
    %mul3A_67 = arith.constant 128 : i32
    %mul3A_68 = arith.muli %select_n3A_66, %mul3A_67 : i32
    %dma_wait3A = arith.constant 0 : i32
    %dma_wait3A_69 = tpu.memref_slice %arg4[%select_n3A, %mul3A_68, %dma_wait3A] : memref<200x4096x32xf32, #tpu.memory_space<hbm>> -> memref<1x128x32xf32, #tpu.memory_space<hbm>>
    %dma_wait3A_70 = tpu.memref_squeeze %dma_wait3A_69 : memref<1x128x32xf32, #tpu.memory_space<hbm>> -> memref<128x32xf32, #tpu.memory_space<hbm>>
    %dma_wait3A_71 = arith.constant 0 : i32
    %dma_wait3A_72 = tpu.memref_slice %arg4[%select_n3A, %mul3A_68, %dma_wait3A_71] : memref<200x4096x32xf32, #tpu.memory_space<hbm>> -> memref<1x128x32xf32, #tpu.memory_space<hbm>>
    %dma_wait3A_73 = tpu.memref_squeeze %dma_wait3A_72 : memref<1x128x32xf32, #tpu.memory_space<hbm>> -> memref<128x32xf32, #tpu.memory_space<hbm>>
    tpu.wait_dma2 semaphore(%arg26 : memref<!tpu.dma_semaphore, #tpu.memory_space<semaphore_mem>>) src(%arg10 : memref<128x32xf32, #tpu.memory_space<vmem>>) dst(%dma_wait3A_73 : memref<128x32xf32, #tpu.memory_space<hbm>>)
    %add3A_74 = arith.constant 197 : i32
    %add3A_75 = arith.addi %mul3A_2, %add3A_74 : i32
    %jit3A_76 = arith.constant 32 : i32
    %div3A_77 = arith.divsi %add3A_75, %jit3A_76 : i32
    %sign3A_78 = arith.constant 0 : i32
    %sign3A_79 = arith.cmpi sgt, %add3A_75, %sign3A_78 : i32
    %sign3A_80 = arith.extui %sign3A_79 : i1 to i32
    %sign3A_81 = arith.constant 0 : i32
    %sign3A_82 = arith.cmpi slt, %add3A_75, %sign3A_81 : i32
    %sign3A_83 = arith.extui %sign3A_82 : i1 to i32
    %sign3A_84 = arith.subi %sign3A_80, %sign3A_83 : i32
    %sign3A_85 = arith.constant 0 : i32
    %sign3A_86 = arith.cmpi sgt, %jit3A_76, %sign3A_85 : i32
    %sign3A_87 = arith.extui %sign3A_86 : i1 to i32
    %sign3A_88 = arith.constant 0 : i32
    %sign3A_89 = arith.cmpi slt, %jit3A_76, %sign3A_88 : i32
    %sign3A_90 = arith.extui %sign3A_89 : i1 to i32
    %sign3A_91 = arith.subi %sign3A_87, %sign3A_90 : i32
    %ne3A_92 = arith.cmpi ne, %sign3A_84, %sign3A_91 : i32
    %rem3A_93 = arith.remsi %add3A_75, %jit3A_76 : i32
    %ne3A_94 = arith.constant 0 : i32
    %ne3A_95 = arith.cmpi ne, %rem3A_93, %ne3A_94 : i32
    %and3A_96 = arith.andi %ne3A_92, %ne3A_95 : i1
    %sub3A_97 = arith.constant 1 : i32
    %sub3A_98 = arith.subi %div3A_77, %sub3A_97 : i32
    %select_n3A_99 = arith.select %and3A_96, %sub3A_98, %div3A_77 : i32
    %jit3A_100 = arith.constant 32 : i32
    %eq3A_101 = arith.constant 0 : i32
    %eq3A_102 = arith.cmpi eq, %jit3A_100, %eq3A_101 : i32
    %jit3A_103 = arith.constant 1 : i32
    %select_n3A_104 = arith.select %eq3A_102, %jit3A_103, %jit3A_100 : i32
    %rem3A_105 = arith.remsi %add3A_75, %select_n3A_104 : i32
    %ne3A_106 = arith.constant 0 : i32
    %ne3A_107 = arith.cmpi ne, %rem3A_105, %ne3A_106 : i32
    %lt3A_108 = arith.constant 0 : i32
    %lt3A_109 = arith.cmpi slt, %rem3A_105, %lt3A_108 : i32
    %lt3A_110 = arith.constant 0 : i32
    %lt3A_111 = arith.cmpi slt, %select_n3A_104, %lt3A_110 : i32
    %ne3A_112 = arith.xori %lt3A_109, %lt3A_111 : i1
    %and3A_113 = arith.andi %ne3A_112, %ne3A_107 : i1
    %add3A_114 = arith.addi %rem3A_105, %select_n3A_104 : i32
    %select_n3A_115 = arith.select %and3A_113, %add3A_114, %rem3A_105 : i32
    %mul3A_116 = arith.constant 128 : i32
    %mul3A_117 = arith.muli %select_n3A_115, %mul3A_116 : i32
    %dma_wait3A_118 = arith.constant 0 : i32
    %dma_wait3A_119 = tpu.memref_slice %arg4[%select_n3A_99, %mul3A_117, %dma_wait3A_118] : memref<200x4096x32xf32, #tpu.memory_space<hbm>> -> memref<1x128x32xf32, #tpu.memory_space<hbm>>
    %dma_wait3A_120 = tpu.memref_squeeze %dma_wait3A_119 : memref<1x128x32xf32, #tpu.memory_space<hbm>> -> memref<128x32xf32, #tpu.memory_space<hbm>>
    %dma_wait3A_121 = arith.constant 0 : i32
    %dma_wait3A_122 = tpu.memref_slice %arg4[%select_n3A_99, %mul3A_117, %dma_wait3A_121] : memref<200x4096x32xf32, #tpu.memory_space<hbm>> -> memref<1x128x32xf32, #tpu.memory_space<hbm>>
    %dma_wait3A_123 = tpu.memref_squeeze %dma_wait3A_122 : memref<1x128x32xf32, #tpu.memory_space<hbm>> -> memref<128x32xf32, #tpu.memory_space<hbm>>
    tpu.wait_dma2 semaphore(%arg27 : memref<!tpu.dma_semaphore, #tpu.memory_space<semaphore_mem>>) src(%arg11 : memref<128x32xf32, #tpu.memory_space<vmem>>) dst(%dma_wait3A_123 : memref<128x32xf32, #tpu.memory_space<hbm>>)
    %add3A_124 = arith.constant 198 : i32
    %add3A_125 = arith.addi %mul3A_2, %add3A_124 : i32
    %jit3A_126 = arith.constant 32 : i32
    %div3A_127 = arith.divsi %add3A_125, %jit3A_126 : i32
    %sign3A_128 = arith.constant 0 : i32
    %sign3A_129 = arith.cmpi sgt, %add3A_125, %sign3A_128 : i32
    %sign3A_130 = arith.extui %sign3A_129 : i1 to i32
    %sign3A_131 = arith.constant 0 : i32
    %sign3A_132 = arith.cmpi slt, %add3A_125, %sign3A_131 : i32
    %sign3A_133 = arith.extui %sign3A_132 : i1 to i32
    %sign3A_134 = arith.subi %sign3A_130, %sign3A_133 : i32
    %sign3A_135 = arith.constant 0 : i32
    %sign3A_136 = arith.cmpi sgt, %jit3A_126, %sign3A_135 : i32
    %sign3A_137 = arith.extui %sign3A_136 : i1 to i32
    %sign3A_138 = arith.constant 0 : i32
    %sign3A_139 = arith.cmpi slt, %jit3A_126, %sign3A_138 : i32
    %sign3A_140 = arith.extui %sign3A_139 : i1 to i32
    %sign3A_141 = arith.subi %sign3A_137, %sign3A_140 : i32
    %ne3A_142 = arith.cmpi ne, %sign3A_134, %sign3A_141 : i32
    %rem3A_143 = arith.remsi %add3A_125, %jit3A_126 : i32
    %ne3A_144 = arith.constant 0 : i32
    %ne3A_145 = arith.cmpi ne, %rem3A_143, %ne3A_144 : i32
    %and3A_146 = arith.andi %ne3A_142, %ne3A_145 : i1
    %sub3A_147 = arith.constant 1 : i32
    %sub3A_148 = arith.subi %div3A_127, %sub3A_147 : i32
    %select_n3A_149 = arith.select %and3A_146, %sub3A_148, %div3A_127 : i32
    %jit3A_150 = arith.constant 32 : i32
    %eq3A_151 = arith.constant 0 : i32
    %eq3A_152 = arith.cmpi eq, %jit3A_150, %eq3A_151 : i32
    %jit3A_153 = arith.constant 1 : i32
    %select_n3A_154 = arith.select %eq3A_152, %jit3A_153, %jit3A_150 : i32
    %rem3A_155 = arith.remsi %add3A_125, %select_n3A_154 : i32
    %ne3A_156 = arith.constant 0 : i32
    %ne3A_157 = arith.cmpi ne, %rem3A_155, %ne3A_156 : i32
    %lt3A_158 = arith.constant 0 : i32
    %lt3A_159 = arith.cmpi slt, %rem3A_155, %lt3A_158 : i32
    %lt3A_160 = arith.constant 0 : i32
    %lt3A_161 = arith.cmpi slt, %select_n3A_154, %lt3A_160 : i32
    %ne3A_162 = arith.xori %lt3A_159, %lt3A_161 : i1
    %and3A_163 = arith.andi %ne3A_162, %ne3A_157 : i1
    %add3A_164 = arith.addi %rem3A_155, %select_n3A_154 : i32
    %select_n3A_165 = arith.select %and3A_163, %add3A_164, %rem3A_155 : i32
    %mul3A_166 = arith.constant 128 : i32
    %mul3A_167 = arith.muli %select_n3A_165, %mul3A_166 : i32
    %dma_wait3A_168 = arith.constant 0 : i32
    %dma_wait3A_169 = tpu.memref_slice %arg4[%select_n3A_149, %mul3A_167, %dma_wait3A_168] : memref<200x4096x32xf32, #tpu.memory_space<hbm>> -> memref<1x128x32xf32, #tpu.memory_space<hbm>>
    %dma_wait3A_170 = tpu.memref_squeeze %dma_wait3A_169 : memref<1x128x32xf32, #tpu.memory_space<hbm>> -> memref<128x32xf32, #tpu.memory_space<hbm>>
    %dma_wait3A_171 = arith.constant 0 : i32
    %dma_wait3A_172 = tpu.memref_slice %arg4[%select_n3A_149, %mul3A_167, %dma_wait3A_171] : memref<200x4096x32xf32, #tpu.memory_space<hbm>> -> memref<1x128x32xf32, #tpu.memory_space<hbm>>
    %dma_wait3A_173 = tpu.memref_squeeze %dma_wait3A_172 : memref<1x128x32xf32, #tpu.memory_space<hbm>> -> memref<128x32xf32, #tpu.memory_space<hbm>>
    tpu.wait_dma2 semaphore(%arg28 : memref<!tpu.dma_semaphore, #tpu.memory_space<semaphore_mem>>) src(%arg12 : memref<128x32xf32, #tpu.memory_space<vmem>>) dst(%dma_wait3A_173 : memref<128x32xf32, #tpu.memory_space<hbm>>)
    %add3A_174 = arith.constant 199 : i32
    %add3A_175 = arith.addi %mul3A_2, %add3A_174 : i32
    %jit3A_176 = arith.constant 32 : i32
    %div3A_177 = arith.divsi %add3A_175, %jit3A_176 : i32
    %sign3A_178 = arith.constant 0 : i32
    %sign3A_179 = arith.cmpi sgt, %add3A_175, %sign3A_178 : i32
    %sign3A_180 = arith.extui %sign3A_179 : i1 to i32
    %sign3A_181 = arith.constant 0 : i32
    %sign3A_182 = arith.cmpi slt, %add3A_175, %sign3A_181 : i32
    %sign3A_183 = arith.extui %sign3A_182 : i1 to i32
    %sign3A_184 = arith.subi %sign3A_180, %sign3A_183 : i32
    %sign3A_185 = arith.constant 0 : i32
    %sign3A_186 = arith.cmpi sgt, %jit3A_176, %sign3A_185 : i32
    %sign3A_187 = arith.extui %sign3A_186 : i1 to i32
    %sign3A_188 = arith.constant 0 : i32
    %sign3A_189 = arith.cmpi slt, %jit3A_176, %sign3A_188 : i32
    %sign3A_190 = arith.extui %sign3A_189 : i1 to i32
    %sign3A_191 = arith.subi %sign3A_187, %sign3A_190 : i32
    %ne3A_192 = arith.cmpi ne, %sign3A_184, %sign3A_191 : i32
    %rem3A_193 = arith.remsi %add3A_175, %jit3A_176 : i32
    %ne3A_194 = arith.constant 0 : i32
    %ne3A_195 = arith.cmpi ne, %rem3A_193, %ne3A_194 : i32
    %and3A_196 = arith.andi %ne3A_192, %ne3A_195 : i1
    %sub3A_197 = arith.constant 1 : i32
    %sub3A_198 = arith.subi %div3A_177, %sub3A_197 : i32
    %select_n3A_199 = arith.select %and3A_196, %sub3A_198, %div3A_177 : i32
    %jit3A_200 = arith.constant 32 : i32
    %eq3A_201 = arith.constant 0 : i32
    %eq3A_202 = arith.cmpi eq, %jit3A_200, %eq3A_201 : i32
    %jit3A_203 = arith.constant 1 : i32
    %select_n3A_204 = arith.select %eq3A_202, %jit3A_203, %jit3A_200 : i32
    %rem3A_205 = arith.remsi %add3A_175, %select_n3A_204 : i32
    %ne3A_206 = arith.constant 0 : i32
    %ne3A_207 = arith.cmpi ne, %rem3A_205, %ne3A_206 : i32
    %lt3A_208 = arith.constant 0 : i32
    %lt3A_209 = arith.cmpi slt, %rem3A_205, %lt3A_208 : i32
    %lt3A_210 = arith.constant 0 : i32
    %lt3A_211 = arith.cmpi slt, %select_n3A_204, %lt3A_210 : i32
    %ne3A_212 = arith.xori %lt3A_209, %lt3A_211 : i1
    %and3A_213 = arith.andi %ne3A_212, %ne3A_207 : i1
    %add3A_214 = arith.addi %rem3A_205, %select_n3A_204 : i32
    %select_n3A_215 = arith.select %and3A_213, %add3A_214, %rem3A_205 : i32
    %mul3A_216 = arith.constant 128 : i32
    %mul3A_217 = arith.muli %select_n3A_215, %mul3A_216 : i32
    %dma_wait3A_218 = arith.constant 0 : i32
    %dma_wait3A_219 = tpu.memref_slice %arg4[%select_n3A_199, %mul3A_217, %dma_wait3A_218] : memref<200x4096x32xf32, #tpu.memory_space<hbm>> -> memref<1x128x32xf32, #tpu.memory_space<hbm>>
    %dma_wait3A_220 = tpu.memref_squeeze %dma_wait3A_219 : memref<1x128x32xf32, #tpu.memory_space<hbm>> -> memref<128x32xf32, #tpu.memory_space<hbm>>
    %dma_wait3A_221 = arith.constant 0 : i32
    %dma_wait3A_222 = tpu.memref_slice %arg4[%select_n3A_199, %mul3A_217, %dma_wait3A_221] : memref<200x4096x32xf32, #tpu.memory_space<hbm>> -> memref<1x128x32xf32, #tpu.memory_space<hbm>>
    %dma_wait3A_223 = tpu.memref_squeeze %dma_wait3A_222 : memref<1x128x32xf32, #tpu.memory_space<hbm>> -> memref<128x32xf32, #tpu.memory_space<hbm>>
    tpu.wait_dma2 semaphore(%arg29 : memref<!tpu.dma_semaphore, #tpu.memory_space<semaphore_mem>>) src(%arg13 : memref<128x32xf32, #tpu.memory_space<vmem>>) dst(%dma_wait3A_223 : memref<128x32xf32, #tpu.memory_space<hbm>>)
    return
  }
}

module attributes {stable_mosaic.version = 14 : i64} {
  func.func @k(%arg0: i32, %arg1: memref<32x8192xf32, #tpu.memory_space<vmem>>, %arg2: memref<8192x128xf32, #tpu.memory_space<vmem>>) attributes {dimension_semantics = [#tpu.dimension_semantics<arbitrary>], iteration_bounds = array<i64: 123>, scalar_prefetch = 0 : i64, scratch_operands = 0 : i64, tpu.core_type = #tpu.core_type<tc>, window_params = [{transform_indices = @transform_0, window_bounds = array<i64: 32, 8192>}, {transform_indices = @transform_1, window_bounds = array<i64: 8192, 128>}]} {
    %get3A = arith.constant 0 : index
    %get3A_0 = arith.constant 0 : index
    %get3A_1 = vector.load %arg1[%get3A, %get3A_0] : memref<32x8192xf32, #tpu.memory_space<vmem>>, vector<32x8192xf32>
    %transpose3A = tpu.transpose %get3A_1, [1, 0] : vector<32x8192xf32> -> vector<8192x32xf32>
    %swap3A = arith.constant 0 : index
    %swap3A_2 = arith.constant 0 : index
    %swap3A_3 = vector.load %arg2[%swap3A, %swap3A_2] : memref<8192x128xf32, #tpu.memory_space<vmem>>, vector<8192x32xf32>
    tpu.vector_store %arg2[%swap3A, %swap3A_2], %transpose3A {strides = array<i32>} : memref<8192x128xf32, #tpu.memory_space<vmem>>, vector<8192x32xf32>,
    return
  }
  func.func @transform_0(%arg0: i32) -> (i32, i32) {
    %c0_i32 = arith.constant 0 : i32
    %c0_i32_0 = arith.constant 0 : i32
    return %c0_i32, %arg0 : i32, i32
  }
  func.func @transform_1(%arg0: i32) -> (i32, i32) {
    %c0_i32 = arith.constant 0 : i32
    %c0_i32_0 = arith.constant 0 : i32
    return %arg0, %c0_i32 : i32, i32
  }
}

</mosaic_0001>

<sc_bundles>
// kernel: kernel.4.cloned.1.call-start
scs
__scs_entry_jumppad:
0x0: {  	(pc) =	sbr.rel $0x88, $3  }
0x1: {  	(tag) =	ssettag $0x0;
	lr =	simm.s32 $0x1  }
0x2: {  	[smem:$0x3F9F] =	sst lr;
	_ =	strace $0xD0000000  }
0x3: {  	_ = 	snop  }
0x4: {  	_ = 	snop  }
0x5: {  	_ = 	snop  }
0x6: {  	_ = 	snop  }
0x7: {  	_ = 	snop  }
__scs_overlays_trampoline_lowered:
0x8: {  	[smem:$0x3FAE] =	sst s0  }
0x9: {  	[smem:$0x3FAF] =	sst s1  }
0xa: {  	[smem:$0x3FB0] =	sst s2  }
0xb: {  	[smem:$0x3FB1] =	sst s3  }
0xc: {  	[smem:$0x3FB2] =	sst s4  }
0xd: {  	[smem:$0x3FB3] =	sst s5  }
0xe: {  	[smem:$0x3FB4] =	sst s6  }
0xf: {  	[smem:$0x3FB5] =	sst s7  }
0x10: {  	[smem:$0x3FB6] =	sst s8  }
0x11: {  	[smem:$0x3FB7] =	sst s9;
	s0 =	simm.s32 @!p0 $0x0  }
0x12: {  	s1 =	sld [smem:$0x3F9D];
	s0 =	simm.s32 @p0 $0x1  }
0x13: {  	[smem:$0x3FB8] =	sst s0;
	s0 =	simm.s32 @!p1 $0x0  }
0x14: {  	s2 =	sld [smem:$0x3F9C];
	s0 =	simm.s32 @p1 $0x1  }
0x15: {  	[smem:$0x3FB9] =	sst s0;
	s0 =	simm.s32 @!p2 $0x0  }
0x16: {  	s3 =	sld [smem:$0x3FDB];
	s0 =	simm.s32 @p2 $0x1  }
0x17: {  	s4 =	simm.s32 $0x1BF5;
	[smem:$0x3FBB] =	sst s0  }
0x18: {  	s0 =	sld [smem:$0x3F9E];
	_ =	swait.ge [sflag:s4], $0x0  }
0x19: {  	s7 =	sld [smem:$0x3F9F]  }
0x1a: {  	s8 =	sadd.s32 $0xFFFFE003, lr  }
0x1b: {  	s9 =	sadd.s32 $0xFFFFFEF7, lr;
	s5 =	simm.s32 $0xFFFFFFFF;
	p2 =	slt.u32 s8, $0xFFFFF086  }
0x1c: {  	p1 =	slt.u32 s9, $0xF7A;
	s5 =	simm.s32 @!p2 $0x0  }
0x1d: {  	s5 =	simm.s32 @p1 $0x1;
	p0 =	seq.s32 s7, s2  }
0x1e: {  	s7 =	smul.u32 @!p0 $0xF7A, s2;
	p2 =	seq.s32 @!p0 s5, $0x0  }
0x1f: {  	s9 =	smul.u32 $0xF7A, s1;
	s8 =	simm.s32 @!p0 $0x1BF5;
	p2 =	por !p2, p0  }
0x20: {  	[sflag:s8] =	ssyncset.s32 @!p0 $0xFFFFF086;
	s6 =	sadd.s32 @!p0 s3, s7;
	s7 =	simm.s32 @!p0 $0x108  }
0x21: {  	s3 =	sadd.s32 s3, s9;
	s6 =	sadd.s32 @!p0 $0x88, s6;
	s7 =	simm.s32 @p2 $0x1082  }
0x22: {  	[simem:s7], [sflag:s8] =	dma.local @!p0 [hbm:s6], $0xF7A  }
0x23: {  	s9 =	sor.u32 $0xD0000000, s2;
	s6 =	simm.s32 $0x108;
	_ =	swait.ge @!p0 [sflag:s8], $0x0  }
0x24: {  	s3 =	sadd.s32 $0x88, s3;
	s6 =	simm.s32 @!p1 $0x1082;
	[sflag:s4] =	ssyncset.s32 $0xFFFFF086  }
0x25: {  	[simem:s6], [sflag:s4] =	dma.local [hbm:s3], $0xF7A  }
0x26: {  	[smem:$0x3F9F] =	sst s1;
	(tag) =	ssettag s2;
	_ =	strace s9  }
0x27: {  	s1 =	sld [smem:$0x3FAF]  }
0x28: {  	s2 =	sld [smem:$0x3FB0]  }
0x29: {  	s4 =	sld [smem:$0x3FB2]  }
0x2a: {  	p0 =	seq.s32 s5, $0x0;
	s5 =	sld [smem:$0x3FB3]  }
0x2b: {  	s6 =	sld [smem:$0x3FB4]  }
0x2c: {  	s7 =	sld [smem:$0x3FB5]  }
0x2d: {  	s3 =	simm.s32 $0x108;
	s8 =	sld [smem:$0x3FB6]  }
0x2e: {  	s3 =	simm.s32 @!p0 $0x1082;
	s9 =	sld [smem:$0x3FB7]  }
0x2f: {  	lr =	sadd.s32 s0, s3;
	s0 =	sld [smem:$0x3FAE]  }
0x30: {  	s3 =	sld [smem:$0x3FB1]  }
0x31: {  	[smem:$0x3FBA] =	sst s10  }
0x32: {  	s10 =	sld [smem:$0x3FB8];
	_ =	sdelay $0x3  }
0x33: {  	p0 =	seq.s32 s10, $0x1;
	s10 =	sld [smem:$0x3FBA];
	_ =	sdelay $0x3  }
0x34: {  	[smem:$0x3FBA] =	sst s10  }
0x35: {  	s10 =	sld [smem:$0x3FB9];
	_ =	sdelay $0x3  }
0x36: {  	p1 =	seq.s32 s10, $0x1;
	s10 =	sld [smem:$0x3FBA];
	_ =	sdelay $0x3  }
0x37: {  	[smem:$0x3FBA] =	sst s10  }
0x38: {  	s10 =	sld [smem:$0x3FBB]  }
0x39: {  	_ = 	snop;
	(pc) =	sbr.ind lr, $3  }
0x3a: {  	_ = 	snop  }
0x3b: {  	_ = 	snop  }
0x3c: {  	p2 =	seq.s32 s10, $0x1;
	s10 =	sld [smem:$0x3FBA]  }
0x3d: {  	_ =	shalt  }
0x3e: {  	_ =	shalt  }
0x3f: {  	_ =	shalt  }
0x40: {  	_ =	shalt  }
0x41: {  	_ =	shalt  }
0x42: {  	_ =	shalt  }
0x43: {  	_ =	shalt  }
0x44: {  	_ =	shalt  }
0x45: {  	_ =	shalt  }
0x46: {  	_ =	shalt  }
0x47: {  	_ =	shalt  }
0x48: {  	_ =	shalt  }
0x49: {  	_ =	shalt  }
0x4a: {  	_ =	shalt  }
0x4b: {  	_ =	shalt  }
0x4c: {  	_ =	shalt  }
0x4d: {  	_ =	shalt  }
0x4e: {  	_ =	shalt  }
0x4f: {  	_ =	shalt  }
0x50: {  	_ =	shalt  }
0x51: {  	_ =	shalt  }
0x52: {  	_ =	shalt  }
0x53: {  	_ =	shalt  }
0x54: {  	_ =	shalt  }
0x55: {  	_ =	shalt  }
0x56: {  	_ =	shalt  }
0x57: {  	_ =	shalt  }
0x58: {  	_ =	shalt  }
0x59: {  	_ =	shalt  }
0x5a: {  	_ =	shalt  }
0x5b: {  	_ =	shalt  }
0x5c: {  	_ =	shalt  }
0x5d: {  	_ =	shalt  }
0x5e: {  	_ =	shalt  }
0x5f: {  	_ =	shalt  }
0x60: {  	_ =	shalt  }
0x61: {  	_ =	shalt  }
0x62: {  	_ =	shalt  }
0x63: {  	_ =	shalt  }
0x64: {  	_ =	shalt  }
0x65: {  	_ =	shalt  }
0x66: {  	_ =	shalt  }
0x67: {  	_ =	shalt  }
0x68: {  	_ =	shalt  }
0x69: {  	_ =	shalt  }
0x6a: {  	_ =	shalt  }
0x6b: {  	_ =	shalt  }
0x6c: {  	_ =	shalt  }
0x6d: {  	_ =	shalt  }
0x6e: {  	_ =	shalt  }
0x6f: {  	_ =	shalt  }
0x70: {  	_ =	shalt  }
0x71: {  	_ =	shalt  }
0x72: {  	_ =	shalt  }
0x73: {  	_ =	shalt  }
0x74: {  	_ =	shalt  }
0x75: {  	_ =	shalt  }
0x76: {  	_ =	shalt  }
0x77: {  	_ =	shalt  }
0x78: {  	_ =	shalt  }
0x79: {  	_ =	shalt  }
0x7a: {  	_ =	shalt  }
0x7b: {  	_ =	shalt  }
0x7c: {  	_ =	shalt  }
0x7d: {  	_ =	shalt  }
0x7e: {  	_ =	shalt  }
0x7f: {  	_ =	shalt  }
0x80: {  	_ =	shalt  }
0x81: {  	_ =	shalt  }
0x82: {  	_ =	shalt  }
0x83: {  	_ =	shalt  }
0x84: {  	_ =	shalt  }
0x85: {  	_ =	shalt  }
0x86: {  	_ =	shalt  }
0x87: {  	_ =	shalt  }
.Lfunc_end0:
.L_simem_size_0:
called_computation.1_lowered:
.L_overlay_start_0:
0x88: {  	s2 =	sld [smem:$0x3FD9]  }
0x89: {  	s3 =	sld [smem:$0x3FFE];
	_ =	sdelay $0x1  }
0x8a: {  	s1 =	srdreg.scid  }
0x8b: {  	s0 =	sand.u32 $0x1, s1  }
0x8c: {  	s17 =	sshll.u32 s0, $0xA;
	s2 =	sadd.s32 s3, s2  }
0x8d: {  	s2 =	sadd.s32 s2, s17  }
0x8e: {  	[smem:$0x3FC6] =	sst s2  }
0x8f: {  	_ = 	snop  }
0x90: {  	s2 =	sld [smem:$0x3FD0];
	(tm) =	ssettm $0x1  }
0x91: {  	s18 =	sld [smem:$0x3FFB];
	_ =	sdelay $0x3  }
0x92: {  	_ =	strace s18  }
0x93: {  	s3 =	sld [smem:$0x3FFC];
	_ =	sdelay $0x3  }
0x94: {  	_ =	strace s3  }
0x95: {  	s3 =	sld [smem:$0x3FFD];
	_ =	sdelay $0x3  }
0x96: {  	_ =	strace s3  }
0x97: {  	_ =	strace $0x8FFFFFFF  }
0x98: {  	s19 =	sld [smem:$0x3FDB];
	_ =	sdelay $0x1  }
0x99: {  	s4 =	simm.s32 $_scs_section_size  }
0x9a: {  	s5 =	simm.s32 $_size__tile_overlayer_lowered;
	s6 =	simm.s32 $_tile_overlayer_lowered  }
0x9b: {  	s22 =	simm.s32 $0x1BFF;
	s21 =	sshll.u32 s6, $0x1;
	s3 =	sadd.s32 s4, s19  }
0x9c: {  	s7 =	simm.s32 $0x0;
	s20 =	sshll.u32 s5, $0x1;
	s5 =	sadd.s32 s21, s3  }
0x9d: {  	[timem:s7], [sflag:s22] =	dma.local [hbm:s5], s20  }
0x9e: {  	_ =	swait.ge [sflag:s22], s20  }
0x9f: {  	s4 =	ssub.s32 $0x0, s20;
	[sflag:s22] =	ssyncset.done $0x0  }
0xa0: {  	[sflag:s22] =	ssyncadd.s32 s4;
	_ =	sdelay $0x1  }
0xa1: {  	s23 =	simm.s32 $0x1B8B  }
0xa2: {  	_ =	swait.ge [sflag:s23], $0x1  }
0xa3: {  	[sflag:s23] =	ssyncset.done $0x0  }
0xa4: {  	s25 =	simm.s32 $0x1B8E;
	s24 =	sld [smem:$0x3FFE];
	[sflag:s23] =	ssyncadd.s32 $0xFFFFFFFF  }
0xa5: {  	s26 =	simm.s32 $execute0_lowered;
	[smem:$0x3FD2] =	sst s25  }
0xa6: {  	s5 =	sshll.u32 s26, $0x1;
	_ =	strace $0x80000046;
	[dreg:$0x1] =	wrdreg $0xFFFFFFFF  }
0xa7: {  	s28 =	simm.s32 $_size_execute0_lowered;
	s3 =	sadd.s32 s3, s5;
	[dreg:$0x0] =	wrdreg $0x0  }
0xa8: {  	s5 =	sshll.u32 s28, $0x1;
	[dreg:$0x2] =	wrdreg s3  }
0xa9: {  	[dreg:$0x3] =	wrdreg s5  }
0xaa: {  	[dreg:$0x4] =	wrdreg $0xC0  }
0xab: {  	_ =	task [dreg:s7], $0x5FFFF  }
0xac: {  	[dreg:$0x1] =	wrdreg $0xFFFFFFFF  }
0xad: {  	[dreg:$0x0] =	wrdreg $0x60  }
0xae: {  	[dreg:$0x2] =	wrdreg s24  }
0xaf: {  	[dreg:$0x3] =	wrdreg s2  }
0xb0: {  	[dreg:$0x4] =	wrdreg $0x9  }
0xb1: {  	_ =	task.clear_ibuf [dreg:s7], $0x5FFFF;
	_ =	strace $0x90000046  }
0xb2: {  	s29 =	simm.s32 $0x9;
	_ =	strace $0x80000048  }
0xb3: {  	_ =	swait.ge [sflag:s29], $0x1  }
0xb4: {  	[sflag:s29] =	ssyncadd.s32 $0xFFFFFFFF  }
0xb5: {  	_ =	strace $0x90000048  }
0xb6: {  	_ =	sfence  }
0xb7: {  	s30 =	sld [smem:$0x0];
	_ =	sdelay $0x2  }
0xb8: {  	s31 =	sshll.u32 s1, $0xD;
	s1 =	sshrl.u32 s1, $0x2  }
0xb9: {  	s3 =	sand.u32 $0x4000, s31;
	s1 =	sadd.s32 s1, s30  }
0xba: {  	s0 =	sor.u32 s3, s0;
	s1 =	sshll.u32 s1, $0x11  }
0xbb: {  	s0 =	sor.u32 s1, s0  }
0xbc: {  	s0 =	sadd.s32 $0x8F2B, s0  }
0xbd: {  	[sflag:s0] =	ssyncadd.remote.s32 $0x1  }
0xbe: {  	_ =	sfence.sel $0xFFFF  }
0xbf: {  	[dreg:$0x0] =	wrdreg $0xFFFFFFFF;
	(pc) =	sbr.abs _section_cstart, $3  }
0xc0: {  	[dreg:$0x1] =	wrdreg $0xFFFFFFFF  }
0xc1: {  	_ =	task.clear_ibuf [dreg:s7], $0x2FFFF;
	_ =	strace $0x9FFFFFFF  }
0xc2: {  	(tm) =	ssettm $0x7FFFFFFF  }
0xc3: {  	_ =	shalt  }
tec
execute0_lowered:
.L_overlay_start_1:
0x0: {  	(tag) =	ssettag $0x1  }
0x1: {  	s0 =	srdreg.scid  }
0x2: {  	s9 =	stileid.u32;
	s3 =	rddreg [dreg:$0x0]  }
0x3: {  	s4 =	rddreg [dreg:$0x1];
	s2 =	simm.s32 $0x0;
	s12 =	simm.s32 $0x80  }
0x4: {  	s18 =	simm.s32 $0x9400;
	s19 =	simm.s32 $0x1;
	s20 =	simm.s32 $0xA400  }
0x5: {  	s21 =	simm.s32 $0x2;
	s22 =	simm.s32 $0xB400;
	s23 =	simm.s32 $0x3  }
0x6: {  	s28 =	simm.s32 $0x5;
	s29 =	simm.s32 $0x9;
	s30 =	simm.s32 $0x6  }
0x7: {  	s31 =	simm.s32 $0xA;
	s15 =	simm.s32 $0x8;
	s5 =	smul.u32 $0x190, s9  }
0x8: {  	s0 =	sand.u32 $0x1, s0;
	s1 =	sshll.u32 s9, $0x1;
	s25 =	smul.u32 $0x32000, s9  }
0x9: {  	s17 =	simm.s32 $0xC;
	s1 =	sor.u32 s0, s1;
	s6 =	smul.u32 $0xC8, s0  }
0xa: {  	[smem:$0x7FF] =	sst s2;
	s7 =	ssub.s32 $0x2, s0;
	s1 =	smul.u32 $0xC80, s1  }
0xb: {  	_ =	strace $0x80000047;
	s0 =	smul.u32 $0x19000, s0;
	s8 =	sshrl.u32 s7, $0x1  }
0xc: {  	s5 =	sadd.s32 s6, s5;
	s24 =	ssub.s32 s7, s8;
	s1 =	sadd.s32 s1, s3  }
0xd: {  	s3 =	sadd.s32 $0x19800, s3;
	s5 =	sshll.u32 s5, $0x9;
	s6 =	smax.u32 s24, $0x1  }
0xe: {  	s24 =	simm.s32 $0xC400;
	s1 =	sadd.s32 $0x800, s1;
	s5 =	sadd.s32 s5, s4  }
.Ltmp0:
0xf: {  	[dreg:$0x4] =	wrdreg s6;
	s6 =	simm.s32 $0x0;
	(pc) =	sbr.rel .LBB2_1-.Ltmp0, $4  }
0x10: {  	[dreg:$0x3] =	wrdreg s1;
	s26 =	sadd.s32 $0x400, s5;
	s8 =	sadd.s32 $0xC00, s5  }
0x11: {  	s7 =	smov.u32 s5;
	s9 =	sadd.s32 $0x800, s5;
	s1 =	sadd.s32 s25, s4  }
0x12: {  	s25 =	simm.s32 $0x4;
	[dreg:$0x5] =	wrdreg s26;
	s10 =	sadd.s32 s0, s1  }
0x13: {  	s26 =	simm.s32 $0xD400;
	s1 =	simm.s32 $0x7;
	s0 =	simm.s32 $0xB  }
.LBB2_4:
0x14: {  	s4 =	simm.s32 $0xD  }
0x15: {  	_ =	swait.ge [sflag:s4], $0x1000  }
0x16: {  	[sflag:s4] =	ssyncset.done $0x0  }
0x17: {  	s13 =	simm.s32 $0xE;
	[sflag:s4] =	ssyncadd.s32 $0xFFFFF000  }
0x18: {  	_ =	swait.ge [sflag:s13], $0x1000  }
0x19: {  	[sflag:s13] =	ssyncset.done $0x0  }
0x1a: {  	s14 =	simm.s32 $0xF;
	[sflag:s13] =	ssyncadd.s32 $0xFFFFF000  }
0x1b: {  	_ =	swait.ge [sflag:s14], $0x1000  }
0x1c: {  	[sflag:s14] =	ssyncset.done $0x0  }
0x1d: {  	s5 =	simm.s32 $0x10;
	[sflag:s14] =	ssyncadd.s32 $0xFFFFF000  }
0x1e: {  	_ =	swait.ge [sflag:s5], $0x1000  }
0x1f: {  	s6 =	rddreg [dreg:$0x6]  }
0x20: {  	s16 =	rddreg [dreg:$0x4];
	s6 =	sadd.s32 $0x1, s6  }
0x21: {  	p0 =	sne.s32 s6, s16  }
.Ltmp1:
0x22: {  	_ = 	snop;
	(pc) =	sbr.rel @!p0 .LBB2_5-.Ltmp1, $3  }
0x23: {  	_ =	sdelay $0x1  }
0x24: {  	[sflag:s5] =	ssyncset.done $0x0  }
0x25: {  	[sflag:s5] =	ssyncadd.s32 $0xFFFFF000  }
.LBB2_1:
0x26: {  	[dreg:$0x6] =	wrdreg s6  }
0x27: {  	s4 =	rddreg [dreg:$0x3];
	s6 =	simm.s32 $0x11  }
0x28: {  	[tilespmem:s2], [sflag:$0x11] =	stream.linear.gather [hbm4b:s4+s2], $0x6400, $0x38;
	[tilespmem:$0xE400] =	vst v63  }
0x29: {  	_ =	swait.ge [sflag:s6], $0x6400  }
0x2a: {  	[sflag:s6] =	ssyncset.done $0x0  }
0x2b: {  	s11 =	simm.s32 $0x6400;
	[sflag:s6] =	ssyncadd.s32 $0xFFFF9C00  }
0x2c: {  	[tilespmem:s11], [sflag:$0x1] =	stream.indirect.gather [hbm4b:s3+s12], $0x20, s2, s12, $0xb8;
	[tilespmem:$0xE400] =	vst v63  }
0x2d: {  	s13 =	simm.s32 $0x7400  }
0x2e: {  	[tilespmem:s13], [sflag:$0x2] =	stream.indirect.gather [hbm4b:s3+s12], $0x20, s12, s12, $0xb8;
	[tilespmem:$0xE400] =	vst v63  }
0x2f: {  	s14 =	simm.s32 $0x100;
	s5 =	simm.s32 $0x8400  }
0x30: {  	[tilespmem:s5], [sflag:$0x3] =	stream.indirect.gather [hbm4b:s3+s12], $0x20, s14, s12, $0xb8;
	[tilespmem:$0xE400] =	vst v63  }
0x31: {  	s16 =	simm.s32 $0x180;
	s11 =	simm.s32 $0x0  }
0x32: {  	[tilespmem:s18], [sflag:$0x4] =	stream.indirect.gather [hbm4b:s3+s12], $0x20, s16, s12, $0xb8;
	[tilespmem:$0xE400] =	vst v63  }
.LBB2_2:
0x33: {  	_ =	swait.ge [sflag:s19], $0x1000  }
0x34: {  	s4 =	sadd.s32 s11, s10;
	p0 =	seq.s32 s11, $0x0;
	[sflag:s19] =	ssyncset.done $0x0  }
0x35: {  	s5 =	simm.s32 $0x6400;
	s6 =	simm.s32 @!p0 $0xD;
	[sflag:s19] =	ssyncadd.s32 $0xFFFFF000  }
0x36: {  	[hbm4b:s4+s2] =	stream.linear.scatter [tilespmem:s5], [sflag:$0x9], $0x1000, $0x38;
	[tilespmem:$0xE400] =	vst v63  }
0x37: {  	_ =	swait.ge @!p0 [sflag:s6], $0x1000  }
0x38: {  	s4 =	sshra.s32 s11, $0x2;
	[sflag:s6] =	ssyncset.done @!p0 $0x0  }
0x39: {  	s14 =	sadd.s32 $0x200, s4;
	[sflag:s6] =	ssyncadd.s32 @!p0 $0xFFFFF000  }
0x3a: {  	[tilespmem:s20], [sflag:$0x5] =	stream.indirect.gather [hbm4b:s3+s12], $0x20, s14, s12, $0xb8;
	[tilespmem:$0xE400] =	vst v63  }
0x3b: {  	_ =	swait.ge [sflag:s21], $0x1000  }
0x3c: {  	s6 =	sadd.s32 s11, s7;
	[sflag:s21] =	ssyncset.done $0x0  }
0x3d: {  	s16 =	simm.s32 $0x7400;
	s13 =	sadd.s32 $0x200, s6;
	[sflag:s21] =	ssyncadd.s32 $0xFFFFF000  }
0x3e: {  	[hbm4b:s13+s2] =	stream.linear.scatter [tilespmem:s16], [sflag:$0xA], $0x1000, $0x38;
	[tilespmem:$0xE400] =	vst v63  }
0x3f: {  	s13 =	simm.s32 @!p0 $0xE  }
0x40: {  	_ =	swait.ge @!p0 [sflag:s13], $0x1000  }
0x41: {  	[sflag:s13] =	ssyncset.done @!p0 $0x0  }
0x42: {  	s5 =	sadd.s32 $0x280, s4;
	[sflag:s13] =	ssyncadd.s32 @!p0 $0xFFFFF000  }
0x43: {  	[tilespmem:s22], [sflag:$0x6] =	stream.indirect.gather [hbm4b:s3+s12], $0x20, s5, s12, $0xb8;
	[tilespmem:$0xE400] =	vst v63  }
0x44: {  	_ =	swait.ge [sflag:s23], $0x1000  }
0x45: {  	s16 =	simm.s32 $0x8400;
	[sflag:s23] =	ssyncset.done $0x0;
	s13 =	rddreg [dreg:$0x5]  }
0x46: {  	[sflag:s23] =	ssyncadd.s32 $0xFFFFF000;
	s14 =	sadd.s32 s11, s13;
	s13 =	simm.s32 @!p0 $0xF  }
0x47: {  	[hbm4b:s14+s2] =	stream.linear.scatter [tilespmem:s16], [sflag:$0xB], $0x1000, $0x38;
	[tilespmem:$0xE400] =	vst v63  }
0x48: {  	_ =	swait.ge @!p0 [sflag:s13], $0x1000  }
0x49: {  	[sflag:s13] =	ssyncset.done @!p0 $0x0  }
0x4a: {  	s5 =	sadd.s32 $0x300, s4;
	[sflag:s13] =	ssyncadd.s32 @!p0 $0xFFFFF000  }
0x4b: {  	[tilespmem:s24], [sflag:$0x7] =	stream.indirect.gather [hbm4b:s3+s12], $0x20, s5, s12, $0xb8;
	[tilespmem:$0xE400] =	vst v63  }
0x4c: {  	_ =	swait.ge [sflag:s25], $0x1000  }
0x4d: {  	[sflag:s25] =	ssyncset.done $0x0  }
0x4e: {  	s14 =	sadd.s32 $0x600, s6;
	s13 =	simm.s32 @!p0 $0x10;
	[sflag:s25] =	ssyncadd.s32 $0xFFFFF000  }
0x4f: {  	[hbm4b:s14+s2] =	stream.linear.scatter [tilespmem:s18], [sflag:$0xC], $0x1000, $0x38;
	[tilespmem:$0xE400] =	vst v63  }
0x50: {  	_ =	swait.ge @!p0 [sflag:s13], $0x1000  }
0x51: {  	[sflag:s13] =	ssyncset.done @!p0 $0x0  }
0x52: {  	s16 =	sadd.s32 $0x380, s4;
	[sflag:s13] =	ssyncadd.s32 @!p0 $0xFFFFF000  }
0x53: {  	[tilespmem:s26], [sflag:$0x8] =	stream.indirect.gather [hbm4b:s3+s12], $0x20, s16, s12, $0xb8;
	[tilespmem:$0xE400] =	vst v63  }
0x54: {  	_ =	swait.ge [sflag:s28], $0x1000  }
0x55: {  	[sflag:s28] =	ssyncset.done $0x0  }
0x56: {  	s5 =	sadd.s32 s11, s9;
	[sflag:s28] =	ssyncadd.s32 $0xFFFFF000  }
0x57: {  	[hbm4b:s5+s2] =	stream.linear.scatter [tilespmem:s20], [sflag:$0xD], $0x1000, $0x38;
	[tilespmem:$0xE400] =	vst v63  }
0x58: {  	p0 =	seq.s32 s11, $0x18000;
	_ =	swait.ge [sflag:s29], $0x1000  }
0x59: {  	s13 =	sshra.s32 @!p0 s11, $0x2;
	s16 =	simm.s32 @!p0 $0x80;
	[sflag:s29] =	ssyncset.done $0x0  }
0x5a: {  	s14 =	sadd.s32 @!p0 $0x400, s13;
	s5 =	simm.s32 @!p0 $0x6400;
	[sflag:s29] =	ssyncadd.s32 $0xFFFFF000  }
0x5b: {  	[tilespmem:s5], [sflag:$0x1] =	stream.indirect.gather @!p0 [hbm4b:s3+s16], $0x20, s14, s16, $0xb8;
	[tilespmem:$0xE400] =	vst v63  }
0x5c: {  	_ =	swait.ge [sflag:s30], $0x1000  }
0x5d: {  	[sflag:s30] =	ssyncset.done $0x0  }
0x5e: {  	s14 =	sadd.s32 $0xA00, s6;
	[sflag:s30] =	ssyncadd.s32 $0xFFFFF000  }
0x5f: {  	[hbm4b:s14+s2] =	stream.linear.scatter [tilespmem:s22], [sflag:$0xE], $0x1000, $0x38;
	[tilespmem:$0xE400] =	vst v63  }
0x60: {  	_ =	swait.ge [sflag:s31], $0x1000  }
0x61: {  	[sflag:s31] =	ssyncset.done $0x0  }
0x62: {  	s5 =	sadd.s32 @!p0 $0x480, s13;
	s14 =	simm.s32 @!p0 $0x7400;
	[sflag:s31] =	ssyncadd.s32 $0xFFFFF000  }
0x63: {  	[tilespmem:s14], [sflag:$0x2] =	stream.indirect.gather @!p0 [hbm4b:s3+s16], $0x20, s5, s16, $0xb8;
	[tilespmem:$0xE400] =	vst v63  }
0x64: {  	_ =	swait.ge [sflag:s1], $0x1000  }
0x65: {  	[sflag:s1] =	ssyncset.done $0x0  }
0x66: {  	s14 =	sadd.s32 s11, s8;
	[sflag:s1] =	ssyncadd.s32 $0xFFFFF000  }
0x67: {  	[hbm4b:s14+s2] =	stream.linear.scatter [tilespmem:s24], [sflag:$0xF], $0x1000, $0x38;
	[tilespmem:$0xE400] =	vst v63  }
0x68: {  	_ =	swait.ge [sflag:s0], $0x1000  }
0x69: {  	[sflag:s0] =	ssyncset.done $0x0  }
0x6a: {  	s5 =	sadd.s32 @!p0 $0x500, s13;
	s13 =	simm.s32 @!p0 $0x8400;
	[sflag:s0] =	ssyncadd.s32 $0xFFFFF000  }
0x6b: {  	[tilespmem:s13], [sflag:$0x3] =	stream.indirect.gather @!p0 [hbm4b:s3+s16], $0x20, s5, s16, $0xb8;
	[tilespmem:$0xE400] =	vst v63  }
0x6c: {  	_ =	swait.ge [sflag:s15], $0x1000  }
0x6d: {  	[sflag:s15] =	ssyncset.done $0x0  }
.Ltmp2:
0x6e: {  	s16 =	sadd.s32 $0xE00, s6;
	[sflag:s15] =	ssyncadd.s32 $0xFFFFF000;
	(pc) =	sbr.rel @p0 .LBB2_4-.Ltmp2, $4  }
0x6f: {  	[hbm4b:s16+s2] =	stream.linear.scatter [tilespmem:s26], [sflag:$0x10], $0x1000, $0x38;
	[tilespmem:$0xE400] =	vst v63  }
0x70: {  	_ =	swait.ge [sflag:s17], $0x1000  }
0x71: {  	[sflag:s17] =	ssyncset.done $0x0  }
0x72: {  	[sflag:s17] =	ssyncadd.s32 $0xFFFFF000  }
.Ltmp3:
0x73: {  	(pc) =	sbr.rel .LBB2_2-.Ltmp3, $3  }
0x74: {  	_ =	sdelay $0x1  }
0x75: {  	s4 =	sadd.s32 $0x580, s4;
	s11 =	sadd.s32 $0x1000, s11  }
0x76: {  	[tilespmem:s18], [sflag:$0x4] =	stream.indirect.gather [hbm4b:s3+s12], $0x20, s4, s12, $0xb8;
	[tilespmem:$0xE400] =	vst v63  }
.LBB2_5:
0x77: {  	_ =	sfence.sel $0x180000  }
0x78: {  	[bflag:$0x0] =	sbarrier.arrive $0xFFFF  }
0x79: {  	_ =	strace $0x90000047  }
0x7a: {  	s0 =	stileid.u32;
	[bflag:$0x2] =	sbarrier.arrive $0xFFFF  }
0x7b: {  	p0 =	sne.s32 s0, $0x0;
	s0 =	rddreg [dreg:$0x2]  }
0x7c: {  	s0 =	sadd.s32 @!p0 $0x100000, s0  }
0x7d: {  	[sflag:s0] =	ssyncadd.tile.s32 @!p0 $0x1;
	_ =	shalt  }
.Lfunc_end2:
_tile_overlayer_lowered:
.L_overlay_start_2:
0x7e: {  	(tag) =	ssettag $0x2  }
0x7f: {  	s0 =	rddreg [dreg:$0x0];
	s2 =	stileid.u32  }
0x80: {  	s1 =	rddreg [dreg:$0x1];
	p0 =	sne.s32 s2, $0x0  }
0x81: {  	s3 =	rddreg [dreg:$0x2];
	[bflag:$0x3] =	sbarrier.arrive $0xFFFF;
	s2 =	simm.s32 @!p0 $0x1C11  }
0x82: {  	[timem:s3], [sflag:s2] =	dma.local @!p0 [hbm:s0], s1  }
0x83: {  	s0 =	simm.s32 @!p0 $0x11  }
0x84: {  	_ =	swait.ge @!p0 [sflag:s0], s1  }
0x85: {  	s1 =	ssub.s32 @!p0 $0x0, s1;
	[sflag:s0] =	ssyncset.done @!p0 $0x0  }
0x86: {  	[sflag:s0] =	ssyncadd.s32 @!p0 s1  }
0x87: {  	[bflag:$0x3] =	sbarrier.arrive $0xFFFF  }
0x88: {  	_ =	shalt  }

// kernel: sparse-core-data-format-call.cloned.1.call-start
scs
called_computation_lowered:
.L_overlay_start_0:
0x0: {  	s2 =	sld [smem:$0x3FD9]  }
0x1: {  	s3 =	sld [smem:$0x3FFE];
	_ =	sdelay $0x1  }
0x2: {  	s1 =	srdreg.scid  }
0x3: {  	s0 =	sand.u32 $0x1, s1  }
0x4: {  	s18 =	sshll.u32 s0, $0xA;
	s2 =	sadd.s32 s3, s2  }
0x5: {  	s2 =	sadd.s32 s2, s18  }
0x6: {  	[smem:$0x3FC6] =	sst s2  }
0x7: {  	_ = 	snop  }
0x8: {  	s2 =	sld [smem:$0x3FD0];
	(tm) =	ssettm $0x1  }
0x9: {  	s19 =	sld [smem:$0x3FFB];
	_ =	sdelay $0x3  }
0xa: {  	_ =	strace s19  }
0xb: {  	s3 =	sld [smem:$0x3FFC];
	_ =	sdelay $0x3  }
0xc: {  	_ =	strace s3  }
0xd: {  	s3 =	sld [smem:$0x3FFD];
	_ =	sdelay $0x3  }
0xe: {  	_ =	strace s3  }
0xf: {  	_ =	strace $0x8FFFFFFF  }
0x10: {  	s20 =	sld [smem:$0x3FDB];
	_ =	sdelay $0x1  }
0x11: {  	s4 =	simm.s32 $_scs_section_size  }
0x12: {  	s5 =	simm.s32 $_size__tile_overlayer_lowered;
	s6 =	simm.s32 $_tile_overlayer_lowered  }
0x13: {  	s23 =	simm.s32 $0x1BFF;
	s22 =	sshll.u32 s6, $0x1;
	s3 =	sadd.s32 s4, s20  }
0x14: {  	s7 =	simm.s32 $0x0;
	s21 =	sshll.u32 s5, $0x1;
	s5 =	sadd.s32 s22, s3  }
0x15: {  	[timem:s7], [sflag:s23] =	dma.local [hbm:s5], s21  }
0x16: {  	_ =	swait.ge [sflag:s23], s21  }
0x17: {  	s4 =	ssub.s32 $0x0, s21;
	[sflag:s23] =	ssyncset.done $0x0  }
0x18: {  	[sflag:s23] =	ssyncadd.s32 s4;
	_ =	sdelay $0x1  }
0x19: {  	s24 =	simm.s32 $0x1B8B  }
0x1a: {  	_ =	swait.ge [sflag:s24], $0x1  }
0x1b: {  	[sflag:s24] =	ssyncset.done $0x0  }
0x1c: {  	s26 =	simm.s32 $0x1B8E;
	s25 =	sld [smem:$0x3FFE];
	[sflag:s24] =	ssyncadd.s32 $0xFFFFFFFF  }
0x1d: {  	s27 =	simm.s32 $execute0_lowered;
	[smem:$0x3FD2] =	sst s26  }
0x1e: {  	s5 =	sshll.u32 s27, $0x1;
	_ =	strace $0x80000049;
	[dreg:$0x1] =	wrdreg $0xFFFFFFFF  }
0x1f: {  	s28 =	simm.s32 $_size_execute0_lowered;
	s3 =	sadd.s32 s3, s5;
	[dreg:$0x0] =	wrdreg $0x0  }
0x20: {  	s5 =	sshll.u32 s28, $0x1;
	[dreg:$0x2] =	wrdreg s3  }
0x21: {  	[dreg:$0x3] =	wrdreg s5  }
0x22: {  	[dreg:$0x4] =	wrdreg $0xC0  }
0x23: {  	_ =	task [dreg:s7], $0x5FFFF  }
0x24: {  	[dreg:$0x1] =	wrdreg $0xFFFFFFFF  }
0x25: {  	[dreg:$0x0] =	wrdreg $0x60  }
0x26: {  	[dreg:$0x2] =	wrdreg s25  }
0x27: {  	[dreg:$0x3] =	wrdreg s2  }
0x28: {  	[dreg:$0x4] =	wrdreg $0x9  }
0x29: {  	_ =	task.clear_ibuf [dreg:s7], $0x5FFFF;
	_ =	strace $0x90000049  }
0x2a: {  	s29 =	simm.s32 $0x9;
	_ =	strace $0x8000004B  }
0x2b: {  	_ =	swait.ge [sflag:s29], $0x1  }
0x2c: {  	[sflag:s29] =	ssyncadd.s32 $0xFFFFFFFF  }
0x2d: {  	_ =	strace $0x9000004B  }
0x2e: {  	_ =	sfence  }
0x2f: {  	s30 =	sld [smem:$0x0];
	_ =	sdelay $0x2  }
0x30: {  	s31 =	sshll.u32 s1, $0xD;
	s1 =	sshrl.u32 s1, $0x2  }
0x31: {  	s3 =	sand.u32 $0x4000, s31;
	s1 =	sadd.s32 s1, s30  }
0x32: {  	s0 =	sor.u32 s3, s0;
	s1 =	sshll.u32 s1, $0x11  }
0x33: {  	s0 =	sor.u32 s1, s0  }
0x34: {  	s0 =	sadd.s32 $0x8F2B, s0  }
0x35: {  	[sflag:s0] =	ssyncadd.remote.s32 $0x1  }
0x36: {  	_ =	sfence.sel $0xFFFF  }
0x37: {  	[dreg:$0x0] =	wrdreg $0xFFFFFFFF;
	(pc) =	sbr.abs _section_cstart, $3  }
0x38: {  	[dreg:$0x1] =	wrdreg $0xFFFFFFFF  }
0x39: {  	_ =	task.clear_ibuf [dreg:s7], $0x2FFFF;
	_ =	strace $0x9FFFFFFF  }
0x3a: {  	(tm) =	ssettm $0x7FFFFFFF  }
0x3b: {  	_ =	shalt  }
tec
execute0_lowered:
.L_overlay_start_1:
0x0: {  	(tag) =	ssettag $0x1  }
0x1: {  	s0 =	srdreg.scid;
	s5 =	rddreg [dreg:$0x0]  }
0x2: {  	s2 =	rddreg [dreg:$0x1];
	s1 =	sshll.u32 s0, $0x4  }
0x3: {  	s9 =	simm.s32 $0x2;
	s0 =	stileid.u32;
	s1 =	sand.u32 $0x10, s1  }
0x4: {  	s15 =	simm.s32 $0x0;
	s11 =	simm.s32 $0x400;
	s4 =	sor.u32 s0, s1  }
0x5: {  	s12 =	simm.s32 $0x8000;
	s16 =	simm.s32 $0x0;
	s3 =	sshll.u32 s4, $0x7  }
0x6: {  	s13 =	simm.s32 $0x0;
	s1 =	rddreg [dreg:$0x2];
	s6 =	ssub.s32 $0x1000, s3  }
0x7: {  	_ =	strace $0x8000004A;
	s8 =	sshll.u32 s4, $0xB;
	s7 =	sand.u32 $0xF80, s6  }
0x8: {  	s4 =	simm.s32 $0x1;
	p0 =	sne.s32 s7, $0x0;
	s7 =	simm.s32 $0x1  }
.Ltmp0:
0x9: {  	s6 =	sshrl.u32 s6, $0xC;
	s7 =	simm.s32 @!p0 $0x0;
	(pc) =	sbr.rel .LBB1_1-.Ltmp0, $4  }
0xa: {  	s14 =	simm.s32 $0x0;
	[sflag:s4] =	ssyncpa.u1 $0x0;
	s6 =	sadd.s32 s7, s6  }
0xb: {  	s10 =	sadd.s32 s8, s5;
	[sflag:s9] =	ssyncpa.u1 $0x0;
	s5 =	smul.u32 $0x32, s6  }
0xc: {  	s8 =	sadd.s32 $0x20800, s10;
	s9 =	sadd.s32 $0x30800, s10;
	p0 =	por $0x0, $0x0  }
0xd: {  	s7 =	sadd.s32 $0x10800, s10;
	s6 =	sadd.s32 $0x800, s10;
	s10 =	sor.u32 $0x1, s5  }
.LBB1_7:
0xe: {  	s17 =	sadd.s32 $0x4, s13  }
0xf: {  	p2 =	sgt.s32 s17, $0xC7  }
0x10: {  	s17 =	simm.s32 @p2 $0x0;
	p2 =	sne.s32 s14, s10  }
.Ltmp1:
0x11: {  	p1 =	slt.u32 s14, $0x2;
	(pc) =	sbr.rel @!p2 .LBB1_8-.Ltmp1, $4  }
0x12: {  	s15 =	simm.s32 @!p1 $0x2  }
0x13: {  	s18 =	sadd.s32 $0x1, s14;
	s16 =	smov.u32 s13;
	_ =	swait.ge @!p1 [sflag:s15], $0x4000  }
0x14: {  	p0 =	por !p0, !p0;
	s14 =	smov.u32 s18;
	[sflag:s15] =	ssyncset.done @!p1 $0x0  }
0x15: {  	s13 =	smov.u32 s17;
	[sflag:s15] =	ssyncadd.s32 @!p1 $0xFFFFC000;
	s15 =	smov.u32 s3  }
.LBB1_1:
0x16: {  	p1 =	sge.u32 s14, s5  }
0x17: {  	s17 =	sxor.u32 @!p1 $0xFFFFFFFF, s14  }
0x18: {  	s18 =	sshll.u32 @!p1 s13, $0x10;
	s20 =	simm.s32 @!p1 $0x20;
	s17 =	sshll.u32 @!p1 s17, $0xE  }
0x19: {  	s21 =	simm.s32 @!p1 $0x80;
	s19 =	sadd.s32 @!p1 s18, s6;
	s17 =	sand.u32 @!p1 $0x4000, s17  }
0x1a: {  	[tilespmem:s17], [sflag:$0x1] =	stream.strided.gather @!p1 [hbm4b:s19+s20], $0x1000, s21, s20, $0x38;
	[tilespmem:$0x10100] =	vst v63  }
0x1b: {  	s19 =	sadd.s32 @!p1 s18, s7;
	s22 =	sor.u32 @!p1 $0x1000, s17  }
0x1c: {  	[tilespmem:s22], [sflag:$0x1] =	stream.strided.gather @!p1 [hbm4b:s19+s20], $0x1000, s21, s20, $0x38;
	[tilespmem:$0x10100] =	vst v63  }
0x1d: {  	s19 =	sadd.s32 @!p1 s18, s8;
	s22 =	sor.u32 @!p1 $0x2000, s17  }
0x1e: {  	[tilespmem:s22], [sflag:$0x1] =	stream.strided.gather @!p1 [hbm4b:s19+s20], $0x1000, s21, s20, $0x38;
	[tilespmem:$0x10100] =	vst v63  }
0x1f: {  	s31 =	sadd.s32 $0xFFFFFFFF, s14;
	s18 =	sadd.s32 @!p1 s18, s9;
	s17 =	sor.u32 @!p1 $0x3000, s17  }
0x20: {  	[tilespmem:s17], [sflag:$0x1] =	stream.strided.gather @!p1 [hbm4b:s18+s20], $0x1000, s21, s20, $0x38;
	[tilespmem:$0x10100] =	vst v63  }
0x21: {  	p1 =	sge.u32 s31, s5  }
.Ltmp2:
0x22: {  	_ = 	snop;
	(pc) =	sbr.rel @p1 .LBB1_7-.Ltmp2, $1  }
0x23: {  	_ =	sdelay $0x3  }
0x24: {  	s18 =	simm.s32 $0x1;
	s19 =	sand.u32 $0x1, s14  }
0x25: {  	_ =	swait.ge [sflag:s4], $0x4000;
	s18 =	simm.s32 @!p0 $0x0;
	s20 =	smul.u32 $0x10200, s19  }
0x26: {  	[sflag:s4] =	ssyncset.done $0x0;
	s17 =	smul.u32 $0x10200, s18  }
0x27: {  	s18 =	sshll.u32 s18, $0xE;
	[sflag:s4] =	ssyncadd.s32 $0xFFFFC000  }
0x28: {  	s19 =	sor.u32 $0x10, s18;
	s31 =	sshrl.u32 s20, $0x2;
	s17 =	sshrl.u32 s17, $0x2  }
0x29: {  	s20 =	simm.s32 $0x0;
	s18 =	sor.u32 $0x8000, s31;
	s17 =	sor.u32 $0x8000, s17  }
.LBB1_3:
0x2a: {  	v1 =	vld [tilespmem:s19+$0x0]  }
0x2b: {  	v0 =	vld [tilespmem:s19+$0xFFFFFFF0];
	_ =	sdelay $0x2  }
0x2c: {  	s23 =	sadd.s32 $0x0, s17  }
0x2d: {  	s21 =	simm.s32 $0x4;
	s22 =	sadd.s32 $0x20, s19;
	[tilespmem:s23+$0x810 ss:$0x81] =	vst.msk $0xffff, v1  }
.LBB1_4:
0x2e: {  	v1 =	vld [tilespmem:s22+$0x0];
	p1 =	sne.s32 s21, $0x1FC;
	[tilespmem:s23+$0x0 ss:$0x81] =	vst.msk $0xffff, v0;
	s23 =	smov.u32 s21;
	s21 =	sadd.s32 $0x4, s21  }
.Ltmp3:
0x2f: {  	v0 =	vld [tilespmem:s22+$0xFFFFFFF0];
	(pc) =	sbr.rel @p1 .LBB1_4-.Ltmp3, $4  }
0x30: {  	_ = 	snop  }
0x31: {  	s23 =	sshra.s32 s23, $0x2  }
0x32: {  	s23 =	sadd.s32 s23, s17  }
0x33: {  	s22 =	sadd.s32 $0x20, s22;
	[tilespmem:s23+$0x810 ss:$0x81] =	vst.msk $0xffff, v1  }
0x34: {  	s20 =	sadd.s32 $0x1, s20  }
0x35: {  	p1 =	sne.s32 s20, $0x4  }
.Ltmp4:
0x36: {  	_ = 	snop;
	(pc) =	sbr.rel @p1 .LBB1_3-.Ltmp4, $2  }
0x37: {  	_ =	sdelay $0x2  }
0x38: {  	[tilespmem:s23+$0x0 ss:$0x81] =	vst.msk $0xffff, v0;
	s17 =	sadd.s32 $0x1020, s17;
	s19 =	sadd.s32 $0x1000, s19  }
.Ltmp5:
0x39: {  	(pc) =	sbr.rel .LBB1_7-.Ltmp5, $4  }
0x3a: {  	s16 =	sshll.u32 s16, $0xE  }
0x3b: {  	s16 =	sadd.s32 s2, s16  }
0x3c: {  	s15 =	sadd.s32 s15, s16  }
0x3d: {  	[hbm4b:s15+s11] =	stream.strided.scatter [tilespmem:s18], [sflag:$0x2], $0x4000, s12, s11, $0x20;
	[tilespmem:$0x10100] =	vst v63  }
.LBB1_8:
0x3e: {  	_ =	sfence.sel $0x180000  }
0x3f: {  	s2 =	simm.s32 $0x1;
	[bflag:$0x0] =	sbarrier.arrive $0xFFFF  }
0x40: {  	s31 =	simm.s32 $0x2;
	[sflag:s2] =	ssyncpa.u1 $0x1  }
0x41: {  	[sflag:s31] =	ssyncpa.u1 $0x1  }
0x42: {  	p0 =	sne.s32 s0, $0x0;
	_ =	strace $0x9000004A  }
0x43: {  	s0 =	sadd.s32 @!p0 $0x100000, s1;
	[bflag:$0x2] =	sbarrier.arrive $0xFFFF  }
0x44: {  	[sflag:s0] =	ssyncadd.tile.s32 @!p0 $0x1;
	_ =	shalt  }
.Lfunc_end1:
_tile_overlayer_lowered:
.L_overlay_start_2:
0x45: {  	(tag) =	ssettag $0x2  }
0x46: {  	s0 =	rddreg [dreg:$0x0];
	s2 =	stileid.u32  }
0x47: {  	s1 =	rddreg [dreg:$0x1];
	p0 =	sne.s32 s2, $0x0  }
0x48: {  	s3 =	rddreg [dreg:$0x2];
	[bflag:$0x3] =	sbarrier.arrive $0xFFFF;
	s2 =	simm.s32 @!p0 $0x1C01  }
0x49: {  	[timem:s3], [sflag:s2] =	dma.local @!p0 [hbm:s0], s1  }
0x4a: {  	s0 =	simm.s32 @!p0 $0x1  }
0x4b: {  	_ =	swait.ge @!p0 [sflag:s0], s1  }
0x4c: {  	s1 =	ssub.s32 @!p0 $0x0, s1;
	[sflag:s0] =	ssyncset.done @!p0 $0x0  }
0x4d: {  	[sflag:s0] =	ssyncadd.s32 @!p0 s1  }
0x4e: {  	[bflag:$0x3] =	sbarrier.arrive $0xFFFF  }
0x4f: {  	_ =	shalt  }

</sc_bundles>
